<compile_context>
chip_gen: v7x
topology: tpu7x:2x2x1
jax: 0.10.2.dev20260603
libtpu: 0.0.44.dev20260713+nightly
codegen_flags: <defaults>
</compile_context>

<pallas_src>
import functools

import jax
import jax.numpy as jnp
from jax import lax
from jax.experimental import pallas as pl
from jax.experimental.pallas import tpu as pltpu
from jax.experimental.pallas import tpu_sc as plsc

NB = 4
BS = 8
SEQ = 32
H = 64
MS = 6
BTILE = 512
TGRP = 4
GCHUNK = 512
HTILE = 2048


def _select_body(hT_ref, W4, b4, W2b, bs2, WpT, bp, Wa1T, ba1, Wa2T, ba2,
                 selp_ref, par_ref, alloc_ref, hrow_ref):
    N = BTILE
    f32, i32 = jnp.float32, jnp.int32
    X = hT_ref[...]
    pieces = [X[128 * j:128 * (j + 1), :].T[:, None, :]
              for j in range(SEQ * H // 128)]
    hrow_ref[...] = jnp.concatenate(pieces, axis=1).reshape(
        N * (SEQ * H // 128), 128)

    parts = []
    for g in range(SEQ // TGRP):
        Xg = X[g * TGRP * H:(g + 1) * TGRP * H, :]
        parts.append(jnp.maximum(
            jnp.dot(W4[...], Xg, preferred_element_type=f32) + b4[...], 0.0))
    s1all = jnp.concatenate(parts, axis=0)
    scores = (jnp.dot(W2b[...], s1all, preferred_element_type=f32)
              + bs2[...])

    pools = []
    for b in range(NB):
        t0 = b * BS
        acc01 = ((X[(t0 + 0) * H:(t0 + 1) * H, :]
                  + X[(t0 + 1) * H:(t0 + 2) * H, :])
                 + (X[(t0 + 2) * H:(t0 + 3) * H, :]
                    + X[(t0 + 3) * H:(t0 + 4) * H, :]))
        acc23 = ((X[(t0 + 4) * H:(t0 + 5) * H, :]
                  + X[(t0 + 5) * H:(t0 + 6) * H, :])
                 + (X[(t0 + 6) * H:(t0 + 7) * H, :]
                    + X[(t0 + 7) * H:(t0 + 8) * H, :]))
        Xm = (acc01 + acc23) * (1.0 / BS)
        pools.append(jnp.dot(WpT[...], Xm, preferred_element_type=f32)
                     + bp[...])
    m01 = (jnp.dot(Wa1T[:, 0:H], pools[0], preferred_element_type=f32)
           + jnp.dot(Wa1T[:, H:2 * H], pools[1], preferred_element_type=f32))
    m23 = (jnp.dot(Wa1T[:, 2 * H:3 * H], pools[2], preferred_element_type=f32)
           + jnp.dot(Wa1T[:, 3 * H:4 * H], pools[3],
                     preferred_element_type=f32))
    h1 = jnp.maximum((m01 + m23) + ba1[...], 0.0)
    logits = jnp.dot(Wa2T[...], h1, preferred_element_type=f32) + ba2[...]

    mx = jnp.max(logits, axis=0, keepdims=True)
    e = jnp.exp(logits - mx)
    soft = e / jnp.sum(e, axis=0, keepdims=True) * MS
    fl = jnp.floor(soft)
    fr = soft - fl
    fli = fl.astype(i32)
    rem = MS - jnp.sum(fli, axis=0, keepdims=True)

    ri4 = lax.broadcasted_iota(i32, (NB, 1), 0)
    rank4 = jnp.zeros((NB, N), i32)
    for j in range(NB):
        fj = fr[j:j + 1, :]
        beat = (fj > fr) | ((fj == fr) & (ri4 > j))
        rank4 = rank4 + beat.astype(i32)
    ia = fli + (rank4 < rem).astype(i32)
    alloc_ref[...] = ia.astype(f32)

    off = jnp.zeros((NB, N), i32)
    for j in range(NB - 1):
        off = off + jnp.where(ri4 > j, ia[j:j + 1, :], 0)

    ri8 = lax.broadcasted_iota(i32, (BS, 1), 0)
    sel_rows = [jnp.zeros((1, N), i32) for _ in range(MS)]
    for b in range(NB):
        sc = scores[b * BS:(b + 1) * BS, :]
        rank = jnp.zeros((BS, N), i32)
        for j in range(BS):
            sj = sc[j:j + 1, :]
            beat = (sj > sc) | ((sj == sc) & (ri8 > j))
            rank = rank + beat.astype(i32)
        kb = jnp.broadcast_to(ia[b:b + 1, :], (BS, N))
        ob = jnp.broadcast_to(off[b:b + 1, :], (BS, N))
        valid = rank < kb
        slot = ob + rank
        tl = ri8 + b * BS
        for s in range(MS):
            msk = valid & (slot == s)
            sel_rows[s] = sel_rows[s] + jnp.sum(
                jnp.where(msk, tl, 0), axis=0, keepdims=True)
    selT = jnp.concatenate(sel_rows, axis=0)

    ci = (pl.program_id(0) * N
          + lax.broadcasted_iota(i32, (1, N), 1))
    selp_ref[...] = ci * (SEQ // 2) + (selT >> 1)
    par_ref[...] = (selT & 1).astype(f32)


def _scorer_weights(W_s1, b_s1, W_s2):
    F = H // 2
    w4 = jnp.zeros((TGRP * F, TGRP * H), jnp.float32)
    for t in range(TGRP):
        w4 = w4.at[t * F:(t + 1) * F, t * H:(t + 1) * H].set(W_s1.T)
    b4 = jnp.tile(b_s1.reshape(F, 1), (TGRP, 1))
    w2b = jnp.zeros((SEQ, SEQ * F), jnp.float32)
    for t in range(SEQ):
        w2b = w2b.at[t, t * F:(t + 1) * F].set(W_s2[:, 0])
    return w4, b4, w2b


def _run_select(hT, W_pool, b_pool, W_a1, b_a1, W_a2, b_a2,
                W_s1, b_s1, W_s2, b_s2, Bsz):
    grid = Bsz // BTILE
    full = lambda shape: pl.BlockSpec(shape, lambda i: (0, 0))
    col = lambda rows: pl.BlockSpec((rows, BTILE), lambda i: (0, i))
    w4, b4, w2b = _scorer_weights(W_s1, b_s1, W_s2)
    F = H // 2
    return pl.pallas_call(
        _select_body,
        grid=(grid,),
        in_specs=[
            col(SEQ * H),
            full((TGRP * F, TGRP * H)), full((TGRP * F, 1)),
            full((SEQ, SEQ * F)), full((1, 1)),
            full((H, H)), full((H, 1)),
            full((H, NB * H)), full((H, 1)),
            full((NB, H)), full((NB, 1)),
        ],
        out_specs=[col(MS), col(MS), col(NB),
                   pl.BlockSpec((BTILE * (SEQ * H // 128), 128),
                                lambda i: (i, 0))],
        out_shape=[
            jax.ShapeDtypeStruct((MS, Bsz), jnp.int32),
            jax.ShapeDtypeStruct((MS, Bsz), jnp.float32),
            jax.ShapeDtypeStruct((NB, Bsz), jnp.float32),
            jax.ShapeDtypeStruct((Bsz * (SEQ * H // 128), 128), jnp.float32),
        ],
    )(hT, w4, b4, w2b, b_s2.reshape(1, 1), W_pool.T, b_pool.reshape(H, 1),
      W_a1.T, b_a1.reshape(H, 1), W_a2.T, b_a2.reshape(NB, 1))


def _run_gather(hid16, sel_flat):
    n_rows = sel_flat.shape[0]
    info = plsc.get_sparse_core_info()
    nw = info.num_cores * info.num_subcores
    per_w = n_rows // nw
    chunks = per_w // GCHUNK
    mesh = plsc.VectorSubcoreMesh(core_axis_name="c", subcore_axis_name="s")

    @functools.partial(
        pl.kernel,
        out_type=jax.ShapeDtypeStruct((n_rows, 2 * H), jnp.float32),
        mesh=mesh,
        scratch_types=[
            pltpu.VMEM((GCHUNK,), jnp.int32),
            pltpu.VMEM((GCHUNK, 2 * H), jnp.float32),
            pltpu.SemaphoreType.DMA,
        ],
    )
    def gk(hid_hbm, sel_hbm, out_hbm, idx_v, rows_v, sem):
        wid = lax.axis_index("s") * info.num_cores + lax.axis_index("c")
        base0 = wid * per_w
        for c in range(chunks):
            base = base0 + c * GCHUNK
            pltpu.sync_copy(sel_hbm.at[pl.ds(base, GCHUNK)], idx_v)
            pltpu.async_copy(hid_hbm.at[idx_v], rows_v, sem).wait()
            pltpu.sync_copy(rows_v, out_hbm.at[pl.ds(base, GCHUNK)])

    return gk(hid16, sel_flat)


def _halfsel_body(pairs_ref, par_ref, out_ref):
    pr = pairs_ref[...]
    parrow = par_ref[...]
    left = pr[:, :H].T
    right = pr[:, H:].T
    out_ref[...] = jnp.where(parrow > 0.5, right, left)


def _run_halfsel(pairs, par_flat, Bsz):
    nb = Bsz // HTILE
    return pl.pallas_call(
        _halfsel_body,
        grid=(MS, nb),
        in_specs=[
            pl.BlockSpec((HTILE, 2 * H), lambda s, i: (s * nb + i, 0)),
            pl.BlockSpec((1, HTILE), lambda s, i: (0, s * nb + i)),
        ],
        out_specs=pl.BlockSpec((H, HTILE), lambda s, i: (s, i)),
        out_shape=jax.ShapeDtypeStruct((MS * H, Bsz), jnp.float32),
    )(pairs, par_flat)


def kernel(hidden, W_pool, b_pool, W_a1, b_a1, W_a2, b_a2, W_s1, b_s1, W_s2, b_s2):
    Bsz = hidden.shape[0]
    hT = jnp.transpose(hidden, (1, 2, 0)).reshape(SEQ * H, Bsz)
    selpT, parT, iaT, hrow = _run_select(
        hT, W_pool, b_pool, W_a1, b_a1, W_a2, b_a2, W_s1, b_s1, W_s2, b_s2,
        Bsz)
    sel_pair = selpT.reshape(MS * Bsz)
    pairs = _run_gather(hrow, sel_pair)
    memT = _run_halfsel(pairs, parT.reshape(1, MS * Bsz), Bsz)
    memory = jnp.transpose(memT.reshape(MS, H, Bsz), (2, 0, 1))
    mask = jnp.ones((Bsz, MS), hidden.dtype)
    return memory, mask, iaT.T

# --- scband reference (transcript-rebuilt; emitter-appended) ---
"""Pipeline reference for scband-block-allocator-77068893160287 (READ-ONLY COPY).

The authoritative reference and input builder live on the scoring server;
editing this copy changes nothing except your own understanding.
"""

import jax, jax.numpy as jnp
import numpy as np

N_BLOCKS = 4
SEQ_LEN = 32
BLOCK_SIZE = SEQ_LEN // N_BLOCKS
HIDDEN_DIM = 64
MEMORY_SLOTS = 6
B = 16384


def setup_inputs(seed: int = 0) -> dict:
    key = jax.random.key(seed)
    ks = jax.random.split(key, 11)
    def lin(k, fan_in, fan_out):
        return jax.random.normal(k, (fan_in, fan_out), dtype=jnp.float32) / np.sqrt(fan_in)
    inp = {
        'hidden': jax.random.normal(ks[0], (B, SEQ_LEN, HIDDEN_DIM), dtype=jnp.float32),
        'W_pool': lin(ks[1], HIDDEN_DIM, HIDDEN_DIM),
        'b_pool': jnp.zeros((HIDDEN_DIM,), jnp.float32),
        'W_a1': lin(ks[2], HIDDEN_DIM * N_BLOCKS, HIDDEN_DIM),
        'b_a1': jnp.zeros((HIDDEN_DIM,), jnp.float32),
        'W_a2': lin(ks[3], HIDDEN_DIM, N_BLOCKS),
        'b_a2': jnp.zeros((N_BLOCKS,), jnp.float32),
        'W_s1': lin(ks[4], HIDDEN_DIM, HIDDEN_DIM // 2),
        'b_s1': jnp.zeros((HIDDEN_DIM // 2,), jnp.float32),
        'W_s2': lin(ks[5], HIDDEN_DIM // 2, 1),
        'b_s2': jnp.zeros((1,), jnp.float32),
    }
    return inp


def _discretize(soft_alloc):
    # floor + distribute remainder to highest fractional parts.
    # Note: softmax sums to 1 -> soft_alloc sums to MEMORY_SLOTS, so
    # floored.sum() <= MEMORY_SLOTS and remainder >= 0 always (the rem<0
    # branch in the torch code is dead in practice).
    floored = jnp.floor(soft_alloc)
    frac = soft_alloc - floored
    floored_i = floored.astype(jnp.int32)
    remainder = MEMORY_SLOTS - floored_i.sum(axis=1)
    ranks = jnp.argsort(jnp.argsort(-frac, axis=1), axis=1)
    inc = (ranks < remainder[:, None]).astype(jnp.int32)
    return jnp.clip(floored_i + inc, 0, None)


def reference(hidden, W_pool, b_pool, W_a1, b_a1, W_a2, b_a2, W_s1, b_s1, W_s2, b_s2):
    Bsz = hidden.shape[0]
    # block summaries: mean-pool each block then Linear
    blocks = hidden.reshape(Bsz, N_BLOCKS, BLOCK_SIZE, HIDDEN_DIM)
    pooled = blocks.mean(axis=2) @ W_pool + b_pool                  # (B, N_BLOCKS, H)
    block_feats = pooled.reshape(Bsz, N_BLOCKS * HIDDEN_DIM)
    h1 = jax.nn.relu(block_feats @ W_a1 + b_a1)
    alloc_logits = h1 @ W_a2 + b_a2                                  # (B, N_BLOCKS)
    soft_alloc = jax.nn.softmax(alloc_logits, axis=-1) * MEMORY_SLOTS
    int_alloc = _discretize(soft_alloc)                              # (B, N_BLOCKS) int

    # token scorer MLP
    s1 = jax.nn.relu(hidden @ W_s1 + b_s1)
    token_scores = (s1 @ W_s2 + b_s2)[..., 0]                        # (B, SEQ_LEN)

    # per-block top-k selection (torch.topk returns descending order)
    scores_blk = token_scores.reshape(Bsz, N_BLOCKS, BLOCK_SIZE)
    order_desc = jnp.argsort(-scores_blk, axis=-1)                   # (B, NB, BS)
    k = jnp.clip(int_alloc, 0, BLOCK_SIZE)
    valid = jnp.arange(BLOCK_SIZE)[None, None, :] < k[:, :, None]
    starts = (jnp.arange(N_BLOCKS) * BLOCK_SIZE)[None, :, None]
    idx_flat = (order_desc + starts).reshape(Bsz, -1)                # (B, SEQ_LEN)
    valid_flat = valid.reshape(Bsz, -1)

    # stable compaction of valid indices to the front (preserves block order)
    perm = jnp.argsort(jnp.logical_not(valid_flat), axis=1)          # jnp.argsort is stable
    sel = jnp.take_along_axis(idx_flat, perm, axis=1)[:, :MEMORY_SLOTS]
    n_valid = valid_flat.sum(axis=1)
    pos = jnp.arange(MEMORY_SLOTS)[None, :]
    last_pos = jnp.clip(n_valid - 1, 0, MEMORY_SLOTS - 1)
    last_val = jnp.take_along_axis(sel, last_pos[:, None], axis=1)
    sel = jnp.where(pos < n_valid[:, None], sel, last_val)           # pad with last selected
    sel = jnp.where((n_valid == 0)[:, None], jnp.arange(MEMORY_SLOTS)[None, :], sel)

    memory = jnp.take_along_axis(hidden, sel[:, :, None], axis=1)    # (B, MEMORY_SLOTS, H)
    mask = jnp.ones((Bsz, MEMORY_SLOTS), dtype=hidden.dtype)
    return memory, mask, int_alloc.astype(jnp.float32)


if False:  # reference __main__ guard neutralized (emitter)
    out = reference(**setup_inputs())
    print([o.shape for o in out])

if __name__ == "__main__":
    import jax
    _d = setup_inputs()
    print(jax.jit(kernel)(*tuple(_d.values())))

</pallas_src>

<mosaic_0001>
#map = affine_map<(d0, d1) -> (0, 0)>
#map1 = affine_map<(d0, d1) -> (0)>
module attributes {stable_mosaic.version = 14 : i64} {
  func.func @gk(%arg0: i32, %arg1: i32, %arg2: memref<262144x128xf32, #tpu.memory_space<hbm>>, %arg3: memref<98304xi32, #tpu.memory_space<hbm>>, %arg4: memref<98304x128xf32, #tpu.memory_space<hbm>>, %arg5: memref<512xi32, #tpu.memory_space<vmem>>, %arg6: memref<512x128xf32, #tpu.memory_space<vmem>>, %arg7: memref<!tpu.dma_semaphore, #tpu.memory_space<semaphore_mem>>) attributes {dimension_semantics = [#tpu.dimension_semantics<core_parallel>, #tpu.dimension_semantics<subcore_parallel>], iteration_bounds = array<i64: 2, 16>, scalar_prefetch = 0 : i64, scratch_operands = 3 : i64, tpu.core_type = #tpu.core_type<sc_vector_subcore>, window_params = [{transform_indices = #map}, {transform_indices = #map1}, {transform_indices = #map}]} {
    %mul3A = arith.constant 2 : i32
    %mul3A_0 = arith.muli %arg1, %mul3A : i32
    %add3A = arith.addi %mul3A_0, %arg0 : i32
    %mul3A_1 = arith.constant 3072 : i32
    %mul3A_2 = arith.muli %add3A, %mul3A_1 : i32
    %add3A_3 = arith.constant 0 : i32
    %add3A_4 = arith.addi %mul3A_2, %add3A_3 : i32
    "tpu.region"() ({
      %run_scoped3A = tpu.sem_alloc : memref<!tpu.dma_semaphore, #tpu.memory_space<semaphore_mem>>
      %dma_start3A_49 = tpu.memref_slice %arg3[%add3A_4] : memref<98304xi32, #tpu.memory_space<hbm>> -> memref<512xi32, #tpu.memory_space<hbm>>
      %dma_start3A_50 = tpu.memref_slice %arg3[%add3A_4] : memref<98304xi32, #tpu.memory_space<hbm>> -> memref<512xi32, #tpu.memory_space<hbm>>
      tpu.enqueue_dma source(%dma_start3A_50 : memref<512xi32, #tpu.memory_space<hbm>>) target(%arg5 : memref<512xi32, #tpu.memory_space<vmem>>) target_semaphore(%run_scoped3A : memref<!tpu.dma_semaphore, #tpu.memory_space<semaphore_mem>>)
      %dma_wait3A_51 = tpu.memref_slice %arg3[%add3A_4] : memref<98304xi32, #tpu.memory_space<hbm>> -> memref<512xi32, #tpu.memory_space<hbm>>
      %dma_wait3A_52 = tpu.memref_slice %arg3[%add3A_4] : memref<98304xi32, #tpu.memory_space<hbm>> -> memref<512xi32, #tpu.memory_space<hbm>>
      tpu.wait_dma2 semaphore(%run_scoped3A : memref<!tpu.dma_semaphore, #tpu.memory_space<semaphore_mem>>) src(%dma_wait3A_52 : memref<512xi32, #tpu.memory_space<hbm>>) dst(%arg5 : memref<512xi32, #tpu.memory_space<vmem>>)
      tpu.yield
    }) : () -> ()
    %dma_start3A = arith.constant 0 : i32
    %dma_start3A_5 = arith.constant 0 : i32
    %dma_start3A_6 = tpu.memref_slice %arg2[%dma_start3A, %dma_start3A_5] : memref<262144x128xf32, #tpu.memory_space<hbm>> -> memref<262144x128xf32, #tpu.memory_space<hbm>>
    tpu.enqueue_indirect_dma source(%dma_start3A_6 : memref<262144x128xf32, #tpu.memory_space<hbm>>) target(%arg6 : memref<512x128xf32, #tpu.memory_space<vmem>>) offsets(%arg5 : memref<512xi32, #tpu.memory_space<vmem>>) semaphore(%arg7 : memref<!tpu.dma_semaphore, #tpu.memory_space<semaphore_mem>>)
    %dma_wait3A = arith.constant 0 : i32
    %dma_wait3A_7 = arith.constant 0 : i32
    %dma_wait3A_8 = tpu.memref_slice %arg2[%dma_wait3A, %dma_wait3A_7] : memref<262144x128xf32, #tpu.memory_space<hbm>> -> memref<262144x128xf32, #tpu.memory_space<hbm>>
    tpu.wait_indirect_dma semaphore(%arg7 : memref<!tpu.dma_semaphore, #tpu.memory_space<semaphore_mem>>) src(%dma_wait3A_8 : memref<262144x128xf32, #tpu.memory_space<hbm>>) dst(%arg6 : memref<512x128xf32, #tpu.memory_space<vmem>>)
    "tpu.region"() ({
      %run_scoped3A = tpu.sem_alloc : memref<!tpu.dma_semaphore, #tpu.memory_space<semaphore_mem>>
      %dma_start3A_49 = arith.constant 0 : i32
      %dma_start3A_50 = tpu.memref_slice %arg4[%add3A_4, %dma_start3A_49] : memref<98304x128xf32, #tpu.memory_space<hbm>> -> memref<512x128xf32, #tpu.memory_space<hbm>>
      %dma_start3A_51 = arith.constant 0 : i32
      %dma_start3A_52 = tpu.memref_slice %arg4[%add3A_4, %dma_start3A_51] : memref<98304x128xf32, #tpu.memory_space<hbm>> -> memref<512x128xf32, #tpu.memory_space<hbm>>
      tpu.enqueue_dma source(%arg6 : memref<512x128xf32, #tpu.memory_space<vmem>>) target(%dma_start3A_52 : memref<512x128xf32, #tpu.memory_space<hbm>>) target_semaphore(%run_scoped3A : memref<!tpu.dma_semaphore, #tpu.memory_space<semaphore_mem>>)
      %dma_wait3A_53 = arith.constant 0 : i32
      %dma_wait3A_54 = tpu.memref_slice %arg4[%add3A_4, %dma_wait3A_53] : memref<98304x128xf32, #tpu.memory_space<hbm>> -> memref<512x128xf32, #tpu.memory_space<hbm>>
      %dma_wait3A_55 = arith.constant 0 : i32
      %dma_wait3A_56 = tpu.memref_slice %arg4[%add3A_4, %dma_wait3A_55] : memref<98304x128xf32, #tpu.memory_space<hbm>> -> memref<512x128xf32, #tpu.memory_space<hbm>>
      tpu.wait_dma2 semaphore(%run_scoped3A : memref<!tpu.dma_semaphore, #tpu.memory_space<semaphore_mem>>) src(%arg6 : memref<512x128xf32, #tpu.memory_space<vmem>>) dst(%dma_wait3A_56 : memref<512x128xf32, #tpu.memory_space<hbm>>)
      tpu.yield
    }) : () -> ()
    %add3A_9 = arith.constant 512 : i32
    %add3A_10 = arith.addi %mul3A_2, %add3A_9 : i32
    "tpu.region"() ({
      %run_scoped3A = tpu.sem_alloc : memref<!tpu.dma_semaphore, #tpu.memory_space<semaphore_mem>>
      %dma_start3A_49 = tpu.memref_slice %arg3[%add3A_10] : memref<98304xi32, #tpu.memory_space<hbm>> -> memref<512xi32, #tpu.memory_space<hbm>>
      %dma_start3A_50 = tpu.memref_slice %arg3[%add3A_10] : memref<98304xi32, #tpu.memory_space<hbm>> -> memref<512xi32, #tpu.memory_space<hbm>>
      tpu.enqueue_dma source(%dma_start3A_50 : memref<512xi32, #tpu.memory_space<hbm>>) target(%arg5 : memref<512xi32, #tpu.memory_space<vmem>>) target_semaphore(%run_scoped3A : memref<!tpu.dma_semaphore, #tpu.memory_space<semaphore_mem>>)
      %dma_wait3A_51 = tpu.memref_slice %arg3[%add3A_10] : memref<98304xi32, #tpu.memory_space<hbm>> -> memref<512xi32, #tpu.memory_space<hbm>>
      %dma_wait3A_52 = tpu.memref_slice %arg3[%add3A_10] : memref<98304xi32, #tpu.memory_space<hbm>> -> memref<512xi32, #tpu.memory_space<hbm>>
      tpu.wait_dma2 semaphore(%run_scoped3A : memref<!tpu.dma_semaphore, #tpu.memory_space<semaphore_mem>>) src(%dma_wait3A_52 : memref<512xi32, #tpu.memory_space<hbm>>) dst(%arg5 : memref<512xi32, #tpu.memory_space<vmem>>)
      tpu.yield
    }) : () -> ()
    %dma_start3A_11 = arith.constant 0 : i32
    %dma_start3A_12 = arith.constant 0 : i32
    %dma_start3A_13 = tpu.memref_slice %arg2[%dma_start3A_11, %dma_start3A_12] : memref<262144x128xf32, #tpu.memory_space<hbm>> -> memref<262144x128xf32, #tpu.memory_space<hbm>>
    tpu.enqueue_indirect_dma source(%dma_start3A_13 : memref<262144x128xf32, #tpu.memory_space<hbm>>) target(%arg6 : memref<512x128xf32, #tpu.memory_space<vmem>>) offsets(%arg5 : memref<512xi32, #tpu.memory_space<vmem>>) semaphore(%arg7 : memref<!tpu.dma_semaphore, #tpu.memory_space<semaphore_mem>>)
    %dma_wait3A_14 = arith.constant 0 : i32
    %dma_wait3A_15 = arith.constant 0 : i32
    %dma_wait3A_16 = tpu.memref_slice %arg2[%dma_wait3A_14, %dma_wait3A_15] : memref<262144x128xf32, #tpu.memory_space<hbm>> -> memref<262144x128xf32, #tpu.memory_space<hbm>>
    tpu.wait_indirect_dma semaphore(%arg7 : memref<!tpu.dma_semaphore, #tpu.memory_space<semaphore_mem>>) src(%dma_wait3A_16 : memref<262144x128xf32, #tpu.memory_space<hbm>>) dst(%arg6 : memref<512x128xf32, #tpu.memory_space<vmem>>)
    "tpu.region"() ({
      %run_scoped3A = tpu.sem_alloc : memref<!tpu.dma_semaphore, #tpu.memory_space<semaphore_mem>>
      %dma_start3A_49 = arith.constant 0 : i32
      %dma_start3A_50 = tpu.memref_slice %arg4[%add3A_10, %dma_start3A_49] : memref<98304x128xf32, #tpu.memory_space<hbm>> -> memref<512x128xf32, #tpu.memory_space<hbm>>
      %dma_start3A_51 = arith.constant 0 : i32
      %dma_start3A_52 = tpu.memref_slice %arg4[%add3A_10, %dma_start3A_51] : memref<98304x128xf32, #tpu.memory_space<hbm>> -> memref<512x128xf32, #tpu.memory_space<hbm>>
      tpu.enqueue_dma source(%arg6 : memref<512x128xf32, #tpu.memory_space<vmem>>) target(%dma_start3A_52 : memref<512x128xf32, #tpu.memory_space<hbm>>) target_semaphore(%run_scoped3A : memref<!tpu.dma_semaphore, #tpu.memory_space<semaphore_mem>>)
      %dma_wait3A_53 = arith.constant 0 : i32
      %dma_wait3A_54 = tpu.memref_slice %arg4[%add3A_10, %dma_wait3A_53] : memref<98304x128xf32, #tpu.memory_space<hbm>> -> memref<512x128xf32, #tpu.memory_space<hbm>>
      %dma_wait3A_55 = arith.constant 0 : i32
      %dma_wait3A_56 = tpu.memref_slice %arg4[%add3A_10, %dma_wait3A_55] : memref<98304x128xf32, #tpu.memory_space<hbm>> -> memref<512x128xf32, #tpu.memory_space<hbm>>
      tpu.wait_dma2 semaphore(%run_scoped3A : memref<!tpu.dma_semaphore, #tpu.memory_space<semaphore_mem>>) src(%arg6 : memref<512x128xf32, #tpu.memory_space<vmem>>) dst(%dma_wait3A_56 : memref<512x128xf32, #tpu.memory_space<hbm>>)
      tpu.yield
    }) : () -> ()
    %add3A_17 = arith.constant 1024 : i32
    %add3A_18 = arith.addi %mul3A_2, %add3A_17 : i32
    "tpu.region"() ({
      %run_scoped3A = tpu.sem_alloc : memref<!tpu.dma_semaphore, #tpu.memory_space<semaphore_mem>>
      %dma_start3A_49 = tpu.memref_slice %arg3[%add3A_18] : memref<98304xi32, #tpu.memory_space<hbm>> -> memref<512xi32, #tpu.memory_space<hbm>>
      %dma_start3A_50 = tpu.memref_slice %arg3[%add3A_18] : memref<98304xi32, #tpu.memory_space<hbm>> -> memref<512xi32, #tpu.memory_space<hbm>>
      tpu.enqueue_dma source(%dma_start3A_50 : memref<512xi32, #tpu.memory_space<hbm>>) target(%arg5 : memref<512xi32, #tpu.memory_space<vmem>>) target_semaphore(%run_scoped3A : memref<!tpu.dma_semaphore, #tpu.memory_space<semaphore_mem>>)
      %dma_wait3A_51 = tpu.memref_slice %arg3[%add3A_18] : memref<98304xi32, #tpu.memory_space<hbm>> -> memref<512xi32, #tpu.memory_space<hbm>>
      %dma_wait3A_52 = tpu.memref_slice %arg3[%add3A_18] : memref<98304xi32, #tpu.memory_space<hbm>> -> memref<512xi32, #tpu.memory_space<hbm>>
      tpu.wait_dma2 semaphore(%run_scoped3A : memref<!tpu.dma_semaphore, #tpu.memory_space<semaphore_mem>>) src(%dma_wait3A_52 : memref<512xi32, #tpu.memory_space<hbm>>) dst(%arg5 : memref<512xi32, #tpu.memory_space<vmem>>)
      tpu.yield
    }) : () -> ()
    %dma_start3A_19 = arith.constant 0 : i32
    %dma_start3A_20 = arith.constant 0 : i32
    %dma_start3A_21 = tpu.memref_slice %arg2[%dma_start3A_19, %dma_start3A_20] : memref<262144x128xf32, #tpu.memory_space<hbm>> -> memref<262144x128xf32, #tpu.memory_space<hbm>>
    tpu.enqueue_indirect_dma source(%dma_start3A_21 : memref<262144x128xf32, #tpu.memory_space<hbm>>) target(%arg6 : memref<512x128xf32, #tpu.memory_space<vmem>>) offsets(%arg5 : memref<512xi32, #tpu.memory_space<vmem>>) semaphore(%arg7 : memref<!tpu.dma_semaphore, #tpu.memory_space<semaphore_mem>>)
    %dma_wait3A_22 = arith.constant 0 : i32
    %dma_wait3A_23 = arith.constant 0 : i32
    %dma_wait3A_24 = tpu.memref_slice %arg2[%dma_wait3A_22, %dma_wait3A_23] : memref<262144x128xf32, #tpu.memory_space<hbm>> -> memref<262144x128xf32, #tpu.memory_space<hbm>>
    tpu.wait_indirect_dma semaphore(%arg7 : memref<!tpu.dma_semaphore, #tpu.memory_space<semaphore_mem>>) src(%dma_wait3A_24 : memref<262144x128xf32, #tpu.memory_space<hbm>>) dst(%arg6 : memref<512x128xf32, #tpu.memory_space<vmem>>)
    "tpu.region"() ({
      %run_scoped3A = tpu.sem_alloc : memref<!tpu.dma_semaphore, #tpu.memory_space<semaphore_mem>>
      %dma_start3A_49 = arith.constant 0 : i32
      %dma_start3A_50 = tpu.memref_slice %arg4[%add3A_18, %dma_start3A_49] : memref<98304x128xf32, #tpu.memory_space<hbm>> -> memref<512x128xf32, #tpu.memory_space<hbm>>
      %dma_start3A_51 = arith.constant 0 : i32
      %dma_start3A_52 = tpu.memref_slice %arg4[%add3A_18, %dma_start3A_51] : memref<98304x128xf32, #tpu.memory_space<hbm>> -> memref<512x128xf32, #tpu.memory_space<hbm>>
      tpu.enqueue_dma source(%arg6 : memref<512x128xf32, #tpu.memory_space<vmem>>) target(%dma_start3A_52 : memref<512x128xf32, #tpu.memory_space<hbm>>) target_semaphore(%run_scoped3A : memref<!tpu.dma_semaphore, #tpu.memory_space<semaphore_mem>>)
      %dma_wait3A_53 = arith.constant 0 : i32
      %dma_wait3A_54 = tpu.memref_slice %arg4[%add3A_18, %dma_wait3A_53] : memref<98304x128xf32, #tpu.memory_space<hbm>> -> memref<512x128xf32, #tpu.memory_space<hbm>>
      %dma_wait3A_55 = arith.constant 0 : i32
      %dma_wait3A_56 = tpu.memref_slice %arg4[%add3A_18, %dma_wait3A_55] : memref<98304x128xf32, #tpu.memory_space<hbm>> -> memref<512x128xf32, #tpu.memory_space<hbm>>
      tpu.wait_dma2 semaphore(%run_scoped3A : memref<!tpu.dma_semaphore, #tpu.memory_space<semaphore_mem>>) src(%arg6 : memref<512x128xf32, #tpu.memory_space<vmem>>) dst(%dma_wait3A_56 : memref<512x128xf32, #tpu.memory_space<hbm>>)
      tpu.yield
    }) : () -> ()
    %add3A_25 = arith.constant 1536 : i32
    %add3A_26 = arith.addi %mul3A_2, %add3A_25 : i32
    "tpu.region"() ({
      %run_scoped3A = tpu.sem_alloc : memref<!tpu.dma_semaphore, #tpu.memory_space<semaphore_mem>>
      %dma_start3A_49 = tpu.memref_slice %arg3[%add3A_26] : memref<98304xi32, #tpu.memory_space<hbm>> -> memref<512xi32, #tpu.memory_space<hbm>>
      %dma_start3A_50 = tpu.memref_slice %arg3[%add3A_26] : memref<98304xi32, #tpu.memory_space<hbm>> -> memref<512xi32, #tpu.memory_space<hbm>>
      tpu.enqueue_dma source(%dma_start3A_50 : memref<512xi32, #tpu.memory_space<hbm>>) target(%arg5 : memref<512xi32, #tpu.memory_space<vmem>>) target_semaphore(%run_scoped3A : memref<!tpu.dma_semaphore, #tpu.memory_space<semaphore_mem>>)
      %dma_wait3A_51 = tpu.memref_slice %arg3[%add3A_26] : memref<98304xi32, #tpu.memory_space<hbm>> -> memref<512xi32, #tpu.memory_space<hbm>>
      %dma_wait3A_52 = tpu.memref_slice %arg3[%add3A_26] : memref<98304xi32, #tpu.memory_space<hbm>> -> memref<512xi32, #tpu.memory_space<hbm>>
      tpu.wait_dma2 semaphore(%run_scoped3A : memref<!tpu.dma_semaphore, #tpu.memory_space<semaphore_mem>>) src(%dma_wait3A_52 : memref<512xi32, #tpu.memory_space<hbm>>) dst(%arg5 : memref<512xi32, #tpu.memory_space<vmem>>)
      tpu.yield
    }) : () -> ()
    %dma_start3A_27 = arith.constant 0 : i32
    %dma_start3A_28 = arith.constant 0 : i32
    %dma_start3A_29 = tpu.memref_slice %arg2[%dma_start3A_27, %dma_start3A_28] : memref<262144x128xf32, #tpu.memory_space<hbm>> -> memref<262144x128xf32, #tpu.memory_space<hbm>>
    tpu.enqueue_indirect_dma source(%dma_start3A_29 : memref<262144x128xf32, #tpu.memory_space<hbm>>) target(%arg6 : memref<512x128xf32, #tpu.memory_space<vmem>>) offsets(%arg5 : memref<512xi32, #tpu.memory_space<vmem>>) semaphore(%arg7 : memref<!tpu.dma_semaphore, #tpu.memory_space<semaphore_mem>>)
    %dma_wait3A_30 = arith.constant 0 : i32
    %dma_wait3A_31 = arith.constant 0 : i32
    %dma_wait3A_32 = tpu.memref_slice %arg2[%dma_wait3A_30, %dma_wait3A_31] : memref<262144x128xf32, #tpu.memory_space<hbm>> -> memref<262144x128xf32, #tpu.memory_space<hbm>>
    tpu.wait_indirect_dma semaphore(%arg7 : memref<!tpu.dma_semaphore, #tpu.memory_space<semaphore_mem>>) src(%dma_wait3A_32 : memref<262144x128xf32, #tpu.memory_space<hbm>>) dst(%arg6 : memref<512x128xf32, #tpu.memory_space<vmem>>)
    "tpu.region"() ({
      %run_scoped3A = tpu.sem_alloc : memref<!tpu.dma_semaphore, #tpu.memory_space<semaphore_mem>>
      %dma_start3A_49 = arith.constant 0 : i32
      %dma_start3A_50 = tpu.memref_slice %arg4[%add3A_26, %dma_start3A_49] : memref<98304x128xf32, #tpu.memory_space<hbm>> -> memref<512x128xf32, #tpu.memory_space<hbm>>
      %dma_start3A_51 = arith.constant 0 : i32
      %dma_start3A_52 = tpu.memref_slice %arg4[%add3A_26, %dma_start3A_51] : memref<98304x128xf32, #tpu.memory_space<hbm>> -> memref<512x128xf32, #tpu.memory_space<hbm>>
      tpu.enqueue_dma source(%arg6 : memref<512x128xf32, #tpu.memory_space<vmem>>) target(%dma_start3A_52 : memref<512x128xf32, #tpu.memory_space<hbm>>) target_semaphore(%run_scoped3A : memref<!tpu.dma_semaphore, #tpu.memory_space<semaphore_mem>>)
      %dma_wait3A_53 = arith.constant 0 : i32
      %dma_wait3A_54 = tpu.memref_slice %arg4[%add3A_26, %dma_wait3A_53] : memref<98304x128xf32, #tpu.memory_space<hbm>> -> memref<512x128xf32, #tpu.memory_space<hbm>>
      %dma_wait3A_55 = arith.constant 0 : i32
      %dma_wait3A_56 = tpu.memref_slice %arg4[%add3A_26, %dma_wait3A_55] : memref<98304x128xf32, #tpu.memory_space<hbm>> -> memref<512x128xf32, #tpu.memory_space<hbm>>
      tpu.wait_dma2 semaphore(%run_scoped3A : memref<!tpu.dma_semaphore, #tpu.memory_space<semaphore_mem>>) src(%arg6 : memref<512x128xf32, #tpu.memory_space<vmem>>) dst(%dma_wait3A_56 : memref<512x128xf32, #tpu.memory_space<hbm>>)
      tpu.yield
    }) : () -> ()
    %add3A_33 = arith.constant 2048 : i32
    %add3A_34 = arith.addi %mul3A_2, %add3A_33 : i32
    "tpu.region"() ({
      %run_scoped3A = tpu.sem_alloc : memref<!tpu.dma_semaphore, #tpu.memory_space<semaphore_mem>>
      %dma_start3A_49 = tpu.memref_slice %arg3[%add3A_34] : memref<98304xi32, #tpu.memory_space<hbm>> -> memref<512xi32, #tpu.memory_space<hbm>>
      %dma_start3A_50 = tpu.memref_slice %arg3[%add3A_34] : memref<98304xi32, #tpu.memory_space<hbm>> -> memref<512xi32, #tpu.memory_space<hbm>>
      tpu.enqueue_dma source(%dma_start3A_50 : memref<512xi32, #tpu.memory_space<hbm>>) target(%arg5 : memref<512xi32, #tpu.memory_space<vmem>>) target_semaphore(%run_scoped3A : memref<!tpu.dma_semaphore, #tpu.memory_space<semaphore_mem>>)
      %dma_wait3A_51 = tpu.memref_slice %arg3[%add3A_34] : memref<98304xi32, #tpu.memory_space<hbm>> -> memref<512xi32, #tpu.memory_space<hbm>>
      %dma_wait3A_52 = tpu.memref_slice %arg3[%add3A_34] : memref<98304xi32, #tpu.memory_space<hbm>> -> memref<512xi32, #tpu.memory_space<hbm>>
      tpu.wait_dma2 semaphore(%run_scoped3A : memref<!tpu.dma_semaphore, #tpu.memory_space<semaphore_mem>>) src(%dma_wait3A_52 : memref<512xi32, #tpu.memory_space<hbm>>) dst(%arg5 : memref<512xi32, #tpu.memory_space<vmem>>)
      tpu.yield
    }) : () -> ()
    %dma_start3A_35 = arith.constant 0 : i32
    %dma_start3A_36 = arith.constant 0 : i32
    %dma_start3A_37 = tpu.memref_slice %arg2[%dma_start3A_35, %dma_start3A_36] : memref<262144x128xf32, #tpu.memory_space<hbm>> -> memref<262144x128xf32, #tpu.memory_space<hbm>>
    tpu.enqueue_indirect_dma source(%dma_start3A_37 : memref<262144x128xf32, #tpu.memory_space<hbm>>) target(%arg6 : memref<512x128xf32, #tpu.memory_space<vmem>>) offsets(%arg5 : memref<512xi32, #tpu.memory_space<vmem>>) semaphore(%arg7 : memref<!tpu.dma_semaphore, #tpu.memory_space<semaphore_mem>>)
    %dma_wait3A_38 = arith.constant 0 : i32
    %dma_wait3A_39 = arith.constant 0 : i32
    %dma_wait3A_40 = tpu.memref_slice %arg2[%dma_wait3A_38, %dma_wait3A_39] : memref<262144x128xf32, #tpu.memory_space<hbm>> -> memref<262144x128xf32, #tpu.memory_space<hbm>>
    tpu.wait_indirect_dma semaphore(%arg7 : memref<!tpu.dma_semaphore, #tpu.memory_space<semaphore_mem>>) src(%dma_wait3A_40 : memref<262144x128xf32, #tpu.memory_space<hbm>>) dst(%arg6 : memref<512x128xf32, #tpu.memory_space<vmem>>)
    "tpu.region"() ({
      %run_scoped3A = tpu.sem_alloc : memref<!tpu.dma_semaphore, #tpu.memory_space<semaphore_mem>>
      %dma_start3A_49 = arith.constant 0 : i32
      %dma_start3A_50 = tpu.memref_slice %arg4[%add3A_34, %dma_start3A_49] : memref<98304x128xf32, #tpu.memory_space<hbm>> -> memref<512x128xf32, #tpu.memory_space<hbm>>
      %dma_start3A_51 = arith.constant 0 : i32
      %dma_start3A_52 = tpu.memref_slice %arg4[%add3A_34, %dma_start3A_51] : memref<98304x128xf32, #tpu.memory_space<hbm>> -> memref<512x128xf32, #tpu.memory_space<hbm>>
      tpu.enqueue_dma source(%arg6 : memref<512x128xf32, #tpu.memory_space<vmem>>) target(%dma_start3A_52 : memref<512x128xf32, #tpu.memory_space<hbm>>) target_semaphore(%run_scoped3A : memref<!tpu.dma_semaphore, #tpu.memory_space<semaphore_mem>>)
      %dma_wait3A_53 = arith.constant 0 : i32
      %dma_wait3A_54 = tpu.memref_slice %arg4[%add3A_34, %dma_wait3A_53] : memref<98304x128xf32, #tpu.memory_space<hbm>> -> memref<512x128xf32, #tpu.memory_space<hbm>>
      %dma_wait3A_55 = arith.constant 0 : i32
      %dma_wait3A_56 = tpu.memref_slice %arg4[%add3A_34, %dma_wait3A_55] : memref<98304x128xf32, #tpu.memory_space<hbm>> -> memref<512x128xf32, #tpu.memory_space<hbm>>
      tpu.wait_dma2 semaphore(%run_scoped3A : memref<!tpu.dma_semaphore, #tpu.memory_space<semaphore_mem>>) src(%arg6 : memref<512x128xf32, #tpu.memory_space<vmem>>) dst(%dma_wait3A_56 : memref<512x128xf32, #tpu.memory_space<hbm>>)
      tpu.yield
    }) : () -> ()
    %add3A_41 = arith.constant 2560 : i32
    %add3A_42 = arith.addi %mul3A_2, %add3A_41 : i32
    "tpu.region"() ({
      %run_scoped3A = tpu.sem_alloc : memref<!tpu.dma_semaphore, #tpu.memory_space<semaphore_mem>>
      %dma_start3A_49 = tpu.memref_slice %arg3[%add3A_42] : memref<98304xi32, #tpu.memory_space<hbm>> -> memref<512xi32, #tpu.memory_space<hbm>>
      %dma_start3A_50 = tpu.memref_slice %arg3[%add3A_42] : memref<98304xi32, #tpu.memory_space<hbm>> -> memref<512xi32, #tpu.memory_space<hbm>>
      tpu.enqueue_dma source(%dma_start3A_50 : memref<512xi32, #tpu.memory_space<hbm>>) target(%arg5 : memref<512xi32, #tpu.memory_space<vmem>>) target_semaphore(%run_scoped3A : memref<!tpu.dma_semaphore, #tpu.memory_space<semaphore_mem>>)
      %dma_wait3A_51 = tpu.memref_slice %arg3[%add3A_42] : memref<98304xi32, #tpu.memory_space<hbm>> -> memref<512xi32, #tpu.memory_space<hbm>>
      %dma_wait3A_52 = tpu.memref_slice %arg3[%add3A_42] : memref<98304xi32, #tpu.memory_space<hbm>> -> memref<512xi32, #tpu.memory_space<hbm>>
      tpu.wait_dma2 semaphore(%run_scoped3A : memref<!tpu.dma_semaphore, #tpu.memory_space<semaphore_mem>>) src(%dma_wait3A_52 : memref<512xi32, #tpu.memory_space<hbm>>) dst(%arg5 : memref<512xi32, #tpu.memory_space<vmem>>)
      tpu.yield
    }) : () -> ()
    %dma_start3A_43 = arith.constant 0 : i32
    %dma_start3A_44 = arith.constant 0 : i32
    %dma_start3A_45 = tpu.memref_slice %arg2[%dma_start3A_43, %dma_start3A_44] : memref<262144x128xf32, #tpu.memory_space<hbm>> -> memref<262144x128xf32, #tpu.memory_space<hbm>>
    tpu.enqueue_indirect_dma source(%dma_start3A_45 : memref<262144x128xf32, #tpu.memory_space<hbm>>) target(%arg6 : memref<512x128xf32, #tpu.memory_space<vmem>>) offsets(%arg5 : memref<512xi32, #tpu.memory_space<vmem>>) semaphore(%arg7 : memref<!tpu.dma_semaphore, #tpu.memory_space<semaphore_mem>>)
    %dma_wait3A_46 = arith.constant 0 : i32
    %dma_wait3A_47 = arith.constant 0 : i32
    %dma_wait3A_48 = tpu.memref_slice %arg2[%dma_wait3A_46, %dma_wait3A_47] : memref<262144x128xf32, #tpu.memory_space<hbm>> -> memref<262144x128xf32, #tpu.memory_space<hbm>>
    tpu.wait_indirect_dma semaphore(%arg7 : memref<!tpu.dma_semaphore, #tpu.memory_space<semaphore_mem>>) src(%dma_wait3A_48 : memref<262144x128xf32, #tpu.memory_space<hbm>>) dst(%arg6 : memref<512x128xf32, #tpu.memory_space<vmem>>)
    "tpu.region"() ({
      %run_scoped3A = tpu.sem_alloc : memref<!tpu.dma_semaphore, #tpu.memory_space<semaphore_mem>>
      %dma_start3A_49 = arith.constant 0 : i32
      %dma_start3A_50 = tpu.memref_slice %arg4[%add3A_42, %dma_start3A_49] : memref<98304x128xf32, #tpu.memory_space<hbm>> -> memref<512x128xf32, #tpu.memory_space<hbm>>
      %dma_start3A_51 = arith.constant 0 : i32
      %dma_start3A_52 = tpu.memref_slice %arg4[%add3A_42, %dma_start3A_51] : memref<98304x128xf32, #tpu.memory_space<hbm>> -> memref<512x128xf32, #tpu.memory_space<hbm>>
      tpu.enqueue_dma source(%arg6 : memref<512x128xf32, #tpu.memory_space<vmem>>) target(%dma_start3A_52 : memref<512x128xf32, #tpu.memory_space<hbm>>) target_semaphore(%run_scoped3A : memref<!tpu.dma_semaphore, #tpu.memory_space<semaphore_mem>>)
      %dma_wait3A_53 = arith.constant 0 : i32
      %dma_wait3A_54 = tpu.memref_slice %arg4[%add3A_42, %dma_wait3A_53] : memref<98304x128xf32, #tpu.memory_space<hbm>> -> memref<512x128xf32, #tpu.memory_space<hbm>>
      %dma_wait3A_55 = arith.constant 0 : i32
      %dma_wait3A_56 = tpu.memref_slice %arg4[%add3A_42, %dma_wait3A_55] : memref<98304x128xf32, #tpu.memory_space<hbm>> -> memref<512x128xf32, #tpu.memory_space<hbm>>
      tpu.wait_dma2 semaphore(%run_scoped3A : memref<!tpu.dma_semaphore, #tpu.memory_space<semaphore_mem>>) src(%arg6 : memref<512x128xf32, #tpu.memory_space<vmem>>) dst(%dma_wait3A_56 : memref<512x128xf32, #tpu.memory_space<hbm>>)
      tpu.yield
    }) : () -> ()
    return
  }
}

module attributes {stable_mosaic.version = 14 : i64} {
  func.func @_select_body(%arg0: i32, %arg1: memref<2048x512xf32, #tpu.memory_space<vmem>>, %arg2: memref<128x256xf32, #tpu.memory_space<vmem>>, %arg3: memref<128x1xf32, #tpu.memory_space<vmem>>, %arg4: memref<32x1024xf32, #tpu.memory_space<vmem>>, %arg5: memref<1x1xf32, #tpu.memory_space<vmem>>, %arg6: memref<64x64xf32, #tpu.memory_space<vmem>>, %arg7: memref<64x1xf32, #tpu.memory_space<vmem>>, %arg8: memref<64x256xf32, #tpu.memory_space<vmem>>, %arg9: memref<64x1xf32, #tpu.memory_space<vmem>>, %arg10: memref<4x64xf32, #tpu.memory_space<vmem>>, %arg11: memref<4x1xf32, #tpu.memory_space<vmem>>, %arg12: memref<6x512xi32, #tpu.memory_space<vmem>>, %arg13: memref<6x512xf32, #tpu.memory_space<vmem>>, %arg14: memref<4x512xf32, #tpu.memory_space<vmem>>, %arg15: memref<8192x128xf32, #tpu.memory_space<vmem>>) attributes {dimension_semantics = [#tpu.dimension_semantics<arbitrary>], iteration_bounds = array<i64: 32>, scalar_prefetch = 0 : i64, scratch_operands = 0 : i64, tpu.core_type = #tpu.core_type<tc>, window_params = [{transform_indices = @transform_0, window_bounds = array<i64: 2048, 512>}, {pipeline_mode = #tpu.pipeline_mode<synchronous>, transform_indices = @transform_1, window_bounds = array<i64: 128, 256>}, {pipeline_mode = #tpu.pipeline_mode<synchronous>, transform_indices = @transform_2, window_bounds = array<i64: 128, 1>}, {pipeline_mode = #tpu.pipeline_mode<synchronous>, transform_indices = @transform_3, window_bounds = array<i64: 32, 1024>}, {pipeline_mode = #tpu.pipeline_mode<synchronous>, transform_indices = @transform_4, window_bounds = array<i64: 1, 1>}, {pipeline_mode = #tpu.pipeline_mode<synchronous>, transform_indices = @transform_5, window_bounds = array<i64: 64, 64>}, {pipeline_mode = #tpu.pipeline_mode<synchronous>, transform_indices = @transform_6, window_bounds = array<i64: 64, 1>}, {pipeline_mode = #tpu.pipeline_mode<synchronous>, transform_indices = @transform_7, window_bounds = array<i64: 64, 256>}, {pipeline_mode = #tpu.pipeline_mode<synchronous>, transform_indices = @transform_8, window_bounds = array<i64: 64, 1>}, {pipeline_mode = #tpu.pipeline_mode<synchronous>, transform_indices = @transform_9, window_bounds = array<i64: 4, 64>}, {pipeline_mode = #tpu.pipeline_mode<synchronous>, transform_indices = @transform_10, window_bounds = array<i64: 4, 1>}, {transform_indices = @transform_11, window_bounds = array<i64: 6, 512>}, {transform_indices = @transform_12, window_bounds = array<i64: 6, 512>}, {transform_indices = @transform_13, window_bounds = array<i64: 4, 512>}, {transform_indices = @transform_14, window_bounds = array<i64: 8192, 128>}]} {
    %get3A = arith.constant 0 : index
    %get3A_0 = arith.constant 0 : index
    %get3A_1 = vector.load %arg1[%get3A, %get3A_0] : memref<2048x512xf32, #tpu.memory_space<vmem>>, vector<2048x512xf32>
    %slice3A = vector.extract_strided_slice %get3A_1 {offsets = [0, 0], sizes = [128, 512], strides = [1, 1]} : vector<2048x512xf32> to vector<128x512xf32>
    %transpose3A = tpu.transpose %slice3A, [1, 0] : vector<128x512xf32> -> vector<512x128xf32>
    %broadcast_in_dim3A = vector.shape_cast %transpose3A : vector<512x128xf32> to vector<512x1x128xf32>
    %slice3A_2 = vector.extract_strided_slice %get3A_1 {offsets = [128, 0], sizes = [128, 512], strides = [1, 1]} : vector<2048x512xf32> to vector<128x512xf32>
    %transpose3A_3 = tpu.transpose %slice3A_2, [1, 0] : vector<128x512xf32> -> vector<512x128xf32>
    %broadcast_in_dim3A_4 = vector.shape_cast %transpose3A_3 : vector<512x128xf32> to vector<512x1x128xf32>
    %slice3A_5 = vector.extract_strided_slice %get3A_1 {offsets = [256, 0], sizes = [128, 512], strides = [1, 1]} : vector<2048x512xf32> to vector<128x512xf32>
    %transpose3A_6 = tpu.transpose %slice3A_5, [1, 0] : vector<128x512xf32> -> vector<512x128xf32>
    %broadcast_in_dim3A_7 = vector.shape_cast %transpose3A_6 : vector<512x128xf32> to vector<512x1x128xf32>
    %slice3A_8 = vector.extract_strided_slice %get3A_1 {offsets = [384, 0], sizes = [128, 512], strides = [1, 1]} : vector<2048x512xf32> to vector<128x512xf32>
    %transpose3A_9 = tpu.transpose %slice3A_8, [1, 0] : vector<128x512xf32> -> vector<512x128xf32>
    %broadcast_in_dim3A_10 = vector.shape_cast %transpose3A_9 : vector<512x128xf32> to vector<512x1x128xf32>
    %slice3A_11 = vector.extract_strided_slice %get3A_1 {offsets = [512, 0], sizes = [128, 512], strides = [1, 1]} : vector<2048x512xf32> to vector<128x512xf32>
    %transpose3A_12 = tpu.transpose %slice3A_11, [1, 0] : vector<128x512xf32> -> vector<512x128xf32>
    %broadcast_in_dim3A_13 = vector.shape_cast %transpose3A_12 : vector<512x128xf32> to vector<512x1x128xf32>
    %slice3A_14 = vector.extract_strided_slice %get3A_1 {offsets = [640, 0], sizes = [128, 512], strides = [1, 1]} : vector<2048x512xf32> to vector<128x512xf32>
    %transpose3A_15 = tpu.transpose %slice3A_14, [1, 0] : vector<128x512xf32> -> vector<512x128xf32>
    %broadcast_in_dim3A_16 = vector.shape_cast %transpose3A_15 : vector<512x128xf32> to vector<512x1x128xf32>
    %slice3A_17 = vector.extract_strided_slice %get3A_1 {offsets = [768, 0], sizes = [128, 512], strides = [1, 1]} : vector<2048x512xf32> to vector<128x512xf32>
    %transpose3A_18 = tpu.transpose %slice3A_17, [1, 0] : vector<128x512xf32> -> vector<512x128xf32>
    %broadcast_in_dim3A_19 = vector.shape_cast %transpose3A_18 : vector<512x128xf32> to vector<512x1x128xf32>
    %slice3A_20 = vector.extract_strided_slice %get3A_1 {offsets = [896, 0], sizes = [128, 512], strides = [1, 1]} : vector<2048x512xf32> to vector<128x512xf32>
    %transpose3A_21 = tpu.transpose %slice3A_20, [1, 0] : vector<128x512xf32> -> vector<512x128xf32>
    %broadcast_in_dim3A_22 = vector.shape_cast %transpose3A_21 : vector<512x128xf32> to vector<512x1x128xf32>
    %slice3A_23 = vector.extract_strided_slice %get3A_1 {offsets = [1024, 0], sizes = [128, 512], strides = [1, 1]} : vector<2048x512xf32> to vector<128x512xf32>
    %transpose3A_24 = tpu.transpose %slice3A_23, [1, 0] : vector<128x512xf32> -> vector<512x128xf32>
    %broadcast_in_dim3A_25 = vector.shape_cast %transpose3A_24 : vector<512x128xf32> to vector<512x1x128xf32>
    %slice3A_26 = vector.extract_strided_slice %get3A_1 {offsets = [1152, 0], sizes = [128, 512], strides = [1, 1]} : vector<2048x512xf32> to vector<128x512xf32>
    %transpose3A_27 = tpu.transpose %slice3A_26, [1, 0] : vector<128x512xf32> -> vector<512x128xf32>
    %broadcast_in_dim3A_28 = vector.shape_cast %transpose3A_27 : vector<512x128xf32> to vector<512x1x128xf32>
    %slice3A_29 = vector.extract_strided_slice %get3A_1 {offsets = [1280, 0], sizes = [128, 512], strides = [1, 1]} : vector<2048x512xf32> to vector<128x512xf32>
    %transpose3A_30 = tpu.transpose %slice3A_29, [1, 0] : vector<128x512xf32> -> vector<512x128xf32>
    %broadcast_in_dim3A_31 = vector.shape_cast %transpose3A_30 : vector<512x128xf32> to vector<512x1x128xf32>
    %slice3A_32 = vector.extract_strided_slice %get3A_1 {offsets = [1408, 0], sizes = [128, 512], strides = [1, 1]} : vector<2048x512xf32> to vector<128x512xf32>
    %transpose3A_33 = tpu.transpose %slice3A_32, [1, 0] : vector<128x512xf32> -> vector<512x128xf32>
    %broadcast_in_dim3A_34 = vector.shape_cast %transpose3A_33 : vector<512x128xf32> to vector<512x1x128xf32>
    %slice3A_35 = vector.extract_strided_slice %get3A_1 {offsets = [1536, 0], sizes = [128, 512], strides = [1, 1]} : vector<2048x512xf32> to vector<128x512xf32>
    %transpose3A_36 = tpu.transpose %slice3A_35, [1, 0] : vector<128x512xf32> -> vector<512x128xf32>
    %broadcast_in_dim3A_37 = vector.shape_cast %transpose3A_36 : vector<512x128xf32> to vector<512x1x128xf32>
    %slice3A_38 = vector.extract_strided_slice %get3A_1 {offsets = [1664, 0], sizes = [128, 512], strides = [1, 1]} : vector<2048x512xf32> to vector<128x512xf32>
    %transpose3A_39 = tpu.transpose %slice3A_38, [1, 0] : vector<128x512xf32> -> vector<512x128xf32>
    %broadcast_in_dim3A_40 = vector.shape_cast %transpose3A_39 : vector<512x128xf32> to vector<512x1x128xf32>
    %slice3A_41 = vector.extract_strided_slice %get3A_1 {offsets = [1792, 0], sizes = [128, 512], strides = [1, 1]} : vector<2048x512xf32> to vector<128x512xf32>
    %transpose3A_42 = tpu.transpose %slice3A_41, [1, 0] : vector<128x512xf32> -> vector<512x128xf32>
    %broadcast_in_dim3A_43 = vector.shape_cast %transpose3A_42 : vector<512x128xf32> to vector<512x1x128xf32>
    %slice3A_44 = vector.extract_strided_slice %get3A_1 {offsets = [1920, 0], sizes = [128, 512], strides = [1, 1]} : vector<2048x512xf32> to vector<128x512xf32>
    %transpose3A_45 = tpu.transpose %slice3A_44, [1, 0] : vector<128x512xf32> -> vector<512x128xf32>
    %broadcast_in_dim3A_46 = vector.shape_cast %transpose3A_45 : vector<512x128xf32> to vector<512x1x128xf32>
    %concatenate3A = tpu.concatenate %broadcast_in_dim3A, %broadcast_in_dim3A_4, %broadcast_in_dim3A_7, %broadcast_in_dim3A_10, %broadcast_in_dim3A_13, %broadcast_in_dim3A_16, %broadcast_in_dim3A_19, %broadcast_in_dim3A_22, %broadcast_in_dim3A_25, %broadcast_in_dim3A_28, %broadcast_in_dim3A_31, %broadcast_in_dim3A_34, %broadcast_in_dim3A_37, %broadcast_in_dim3A_40, %broadcast_in_dim3A_43, %broadcast_in_dim3A_46 in 1 : vector<512x1x128xf32>, vector<512x1x128xf32>, vector<512x1x128xf32>, vector<512x1x128xf32>, vector<512x1x128xf32>, vector<512x1x128xf32>, vector<512x1x128xf32>, vector<512x1x128xf32>, vector<512x1x128xf32>, vector<512x1x128xf32>, vector<512x1x128xf32>, vector<512x1x128xf32>, vector<512x1x128xf32>, vector<512x1x128xf32>, vector<512x1x128xf32>, vector<512x1x128xf32> -> vector<512x16x128xf32>
    %reshape3A = vector.shape_cast %concatenate3A : vector<512x16x128xf32> to vector<8192x128xf32>
    %swap3A = arith.constant 0 : index
    %swap3A_47 = arith.constant 0 : index
    %swap3A_48 = vector.load %arg15[%swap3A, %swap3A_47] : memref<8192x128xf32, #tpu.memory_space<vmem>>, vector<8192x128xf32>
    tpu.vector_store %arg15[%swap3A, %swap3A_47], %reshape3A {strides = array<i32>} : memref<8192x128xf32, #tpu.memory_space<vmem>>, vector<8192x128xf32>,
    %slice3A_49 = vector.extract_strided_slice %get3A_1 {offsets = [0, 0], sizes = [256, 512], strides = [1, 1]} : vector<2048x512xf32> to vector<256x512xf32>
    %get3A_50 = arith.constant 0 : index
    %get3A_51 = arith.constant 0 : index
    %get3A_52 = vector.load %arg2[%get3A_50, %get3A_51] : memref<128x256xf32, #tpu.memory_space<vmem>>, vector<128x256xf32>
    %dot_general3A = arith.constant dense<0.000000e+00> : vector<128x512xf32>
    %dot_general3A_53 = tpu.matmul %get3A_52, %slice3A_49, %dot_general3A {dimension_numbers = #tpu.dot_dimension_numbers<[1], [0], [0], [1], [0, 0, 1, 1], [], []>, transpose_lhs_hint = false} : vector<128x256xf32>, vector<256x512xf32>, vector<128x512xf32> -> vector<128x512xf32>
    %get3A_54 = arith.constant 0 : index
    %get3A_55 = arith.constant 0 : index
    %get3A_56 = vector.load %arg3[%get3A_54, %get3A_55] : memref<128x1xf32, #tpu.memory_space<vmem>>, vector<128x1xf32>
    %add3A = vector.broadcast %get3A_56 : vector<128x1xf32> to vector<128x512xf32>
    %add3A_57 = arith.addf %dot_general3A_53, %add3A : vector<128x512xf32>
    %max3A = arith.constant 0.000000e+00 : f32
    %max3A_58 = vector.broadcast %max3A : f32 to vector<128x512xf32>
    %max3A_59 = arith.maximumf %add3A_57, %max3A_58 : vector<128x512xf32>
    %slice3A_60 = vector.extract_strided_slice %get3A_1 {offsets = [256, 0], sizes = [256, 512], strides = [1, 1]} : vector<2048x512xf32> to vector<256x512xf32>
    %get3A_61 = arith.constant 0 : index
    %get3A_62 = arith.constant 0 : index
    %get3A_63 = vector.load %arg2[%get3A_61, %get3A_62] : memref<128x256xf32, #tpu.memory_space<vmem>>, vector<128x256xf32>
    %dot_general3A_64 = arith.constant dense<0.000000e+00> : vector<128x512xf32>
    %dot_general3A_65 = tpu.matmul %get3A_63, %slice3A_60, %dot_general3A_64 {dimension_numbers = #tpu.dot_dimension_numbers<[1], [0], [0], [1], [0, 0, 1, 1], [], []>, transpose_lhs_hint = false} : vector<128x256xf32>, vector<256x512xf32>, vector<128x512xf32> -> vector<128x512xf32>
    %get3A_66 = arith.constant 0 : index
    %get3A_67 = arith.constant 0 : index
    %get3A_68 = vector.load %arg3[%get3A_66, %get3A_67] : memref<128x1xf32, #tpu.memory_space<vmem>>, vector<128x1xf32>
    %add3A_69 = vector.broadcast %get3A_68 : vector<128x1xf32> to vector<128x512xf32>
    %add3A_70 = arith.addf %dot_general3A_65, %add3A_69 : vector<128x512xf32>
    %max3A_71 = arith.constant 0.000000e+00 : f32
    %max3A_72 = vector.broadcast %max3A_71 : f32 to vector<128x512xf32>
    %max3A_73 = arith.maximumf %add3A_70, %max3A_72 : vector<128x512xf32>
    %slice3A_74 = vector.extract_strided_slice %get3A_1 {offsets = [512, 0], sizes = [256, 512], strides = [1, 1]} : vector<2048x512xf32> to vector<256x512xf32>
    %get3A_75 = arith.constant 0 : index
    %get3A_76 = arith.constant 0 : index
    %get3A_77 = vector.load %arg2[%get3A_75, %get3A_76] : memref<128x256xf32, #tpu.memory_space<vmem>>, vector<128x256xf32>
    %dot_general3A_78 = arith.constant dense<0.000000e+00> : vector<128x512xf32>
    %dot_general3A_79 = tpu.matmul %get3A_77, %slice3A_74, %dot_general3A_78 {dimension_numbers = #tpu.dot_dimension_numbers<[1], [0], [0], [1], [0, 0, 1, 1], [], []>, transpose_lhs_hint = false} : vector<128x256xf32>, vector<256x512xf32>, vector<128x512xf32> -> vector<128x512xf32>
    %get3A_80 = arith.constant 0 : index
    %get3A_81 = arith.constant 0 : index
    %get3A_82 = vector.load %arg3[%get3A_80, %get3A_81] : memref<128x1xf32, #tpu.memory_space<vmem>>, vector<128x1xf32>
    %add3A_83 = vector.broadcast %get3A_82 : vector<128x1xf32> to vector<128x512xf32>
    %add3A_84 = arith.addf %dot_general3A_79, %add3A_83 : vector<128x512xf32>
    %max3A_85 = arith.constant 0.000000e+00 : f32
    %max3A_86 = vector.broadcast %max3A_85 : f32 to vector<128x512xf32>
    %max3A_87 = arith.maximumf %add3A_84, %max3A_86 : vector<128x512xf32>
    %slice3A_88 = vector.extract_strided_slice %get3A_1 {offsets = [768, 0], sizes = [256, 512], strides = [1, 1]} : vector<2048x512xf32> to vector<256x512xf32>
    %get3A_89 = arith.constant 0 : index
    %get3A_90 = arith.constant 0 : index
    %get3A_91 = vector.load %arg2[%get3A_89, %get3A_90] : memref<128x256xf32, #tpu.memory_space<vmem>>, vector<128x256xf32>
    %dot_general3A_92 = arith.constant dense<0.000000e+00> : vector<128x512xf32>
    %dot_general3A_93 = tpu.matmul %get3A_91, %slice3A_88, %dot_general3A_92 {dimension_numbers = #tpu.dot_dimension_numbers<[1], [0], [0], [1], [0, 0, 1, 1], [], []>, transpose_lhs_hint = false} : vector<128x256xf32>, vector<256x512xf32>, vector<128x512xf32> -> vector<128x512xf32>
    %get3A_94 = arith.constant 0 : index
    %get3A_95 = arith.constant 0 : index
    %get3A_96 = vector.load %arg3[%get3A_94, %get3A_95] : memref<128x1xf32, #tpu.memory_space<vmem>>, vector<128x1xf32>
    %add3A_97 = vector.broadcast %get3A_96 : vector<128x1xf32> to vector<128x512xf32>
    %add3A_98 = arith.addf %dot_general3A_93, %add3A_97 : vector<128x512xf32>
    %max3A_99 = arith.constant 0.000000e+00 : f32
    %max3A_100 = vector.broadcast %max3A_99 : f32 to vector<128x512xf32>
    %max3A_101 = arith.maximumf %add3A_98, %max3A_100 : vector<128x512xf32>
    %slice3A_102 = vector.extract_strided_slice %get3A_1 {offsets = [1024, 0], sizes = [256, 512], strides = [1, 1]} : vector<2048x512xf32> to vector<256x512xf32>
    %get3A_103 = arith.constant 0 : index
    %get3A_104 = arith.constant 0 : index
    %get3A_105 = vector.load %arg2[%get3A_103, %get3A_104] : memref<128x256xf32, #tpu.memory_space<vmem>>, vector<128x256xf32>
    %dot_general3A_106 = arith.constant dense<0.000000e+00> : vector<128x512xf32>
    %dot_general3A_107 = tpu.matmul %get3A_105, %slice3A_102, %dot_general3A_106 {dimension_numbers = #tpu.dot_dimension_numbers<[1], [0], [0], [1], [0, 0, 1, 1], [], []>, transpose_lhs_hint = false} : vector<128x256xf32>, vector<256x512xf32>, vector<128x512xf32> -> vector<128x512xf32>
    %get3A_108 = arith.constant 0 : index
    %get3A_109 = arith.constant 0 : index
    %get3A_110 = vector.load %arg3[%get3A_108, %get3A_109] : memref<128x1xf32, #tpu.memory_space<vmem>>, vector<128x1xf32>
    %add3A_111 = vector.broadcast %get3A_110 : vector<128x1xf32> to vector<128x512xf32>
    %add3A_112 = arith.addf %dot_general3A_107, %add3A_111 : vector<128x512xf32>
    %max3A_113 = arith.constant 0.000000e+00 : f32
    %max3A_114 = vector.broadcast %max3A_113 : f32 to vector<128x512xf32>
    %max3A_115 = arith.maximumf %add3A_112, %max3A_114 : vector<128x512xf32>
    %slice3A_116 = vector.extract_strided_slice %get3A_1 {offsets = [1280, 0], sizes = [256, 512], strides = [1, 1]} : vector<2048x512xf32> to vector<256x512xf32>
    %get3A_117 = arith.constant 0 : index
    %get3A_118 = arith.constant 0 : index
    %get3A_119 = vector.load %arg2[%get3A_117, %get3A_118] : memref<128x256xf32, #tpu.memory_space<vmem>>, vector<128x256xf32>
    %dot_general3A_120 = arith.constant dense<0.000000e+00> : vector<128x512xf32>
    %dot_general3A_121 = tpu.matmul %get3A_119, %slice3A_116, %dot_general3A_120 {dimension_numbers = #tpu.dot_dimension_numbers<[1], [0], [0], [1], [0, 0, 1, 1], [], []>, transpose_lhs_hint = false} : vector<128x256xf32>, vector<256x512xf32>, vector<128x512xf32> -> vector<128x512xf32>
    %get3A_122 = arith.constant 0 : index
    %get3A_123 = arith.constant 0 : index
    %get3A_124 = vector.load %arg3[%get3A_122, %get3A_123] : memref<128x1xf32, #tpu.memory_space<vmem>>, vector<128x1xf32>
    %add3A_125 = vector.broadcast %get3A_124 : vector<128x1xf32> to vector<128x512xf32>
    %add3A_126 = arith.addf %dot_general3A_121, %add3A_125 : vector<128x512xf32>
    %max3A_127 = arith.constant 0.000000e+00 : f32
    %max3A_128 = vector.broadcast %max3A_127 : f32 to vector<128x512xf32>
    %max3A_129 = arith.maximumf %add3A_126, %max3A_128 : vector<128x512xf32>
    %slice3A_130 = vector.extract_strided_slice %get3A_1 {offsets = [1536, 0], sizes = [256, 512], strides = [1, 1]} : vector<2048x512xf32> to vector<256x512xf32>
    %get3A_131 = arith.constant 0 : index
    %get3A_132 = arith.constant 0 : index
    %get3A_133 = vector.load %arg2[%get3A_131, %get3A_132] : memref<128x256xf32, #tpu.memory_space<vmem>>, vector<128x256xf32>
    %dot_general3A_134 = arith.constant dense<0.000000e+00> : vector<128x512xf32>
    %dot_general3A_135 = tpu.matmul %get3A_133, %slice3A_130, %dot_general3A_134 {dimension_numbers = #tpu.dot_dimension_numbers<[1], [0], [0], [1], [0, 0, 1, 1], [], []>, transpose_lhs_hint = false} : vector<128x256xf32>, vector<256x512xf32>, vector<128x512xf32> -> vector<128x512xf32>
    %get3A_136 = arith.constant 0 : index
    %get3A_137 = arith.constant 0 : index
    %get3A_138 = vector.load %arg3[%get3A_136, %get3A_137] : memref<128x1xf32, #tpu.memory_space<vmem>>, vector<128x1xf32>
    %add3A_139 = vector.broadcast %get3A_138 : vector<128x1xf32> to vector<128x512xf32>
    %add3A_140 = arith.addf %dot_general3A_135, %add3A_139 : vector<128x512xf32>
    %max3A_141 = arith.constant 0.000000e+00 : f32
    %max3A_142 = vector.broadcast %max3A_141 : f32 to vector<128x512xf32>
    %max3A_143 = arith.maximumf %add3A_140, %max3A_142 : vector<128x512xf32>
    %slice3A_144 = vector.extract_strided_slice %get3A_1 {offsets = [1792, 0], sizes = [256, 512], strides = [1, 1]} : vector<2048x512xf32> to vector<256x512xf32>
    %get3A_145 = arith.constant 0 : index
    %get3A_146 = arith.constant 0 : index
    %get3A_147 = vector.load %arg2[%get3A_145, %get3A_146] : memref<128x256xf32, #tpu.memory_space<vmem>>, vector<128x256xf32>
    %dot_general3A_148 = arith.constant dense<0.000000e+00> : vector<128x512xf32>
    %dot_general3A_149 = tpu.matmul %get3A_147, %slice3A_144, %dot_general3A_148 {dimension_numbers = #tpu.dot_dimension_numbers<[1], [0], [0], [1], [0, 0, 1, 1], [], []>, transpose_lhs_hint = false} : vector<128x256xf32>, vector<256x512xf32>, vector<128x512xf32> -> vector<128x512xf32>
    %get3A_150 = arith.constant 0 : index
    %get3A_151 = arith.constant 0 : index
    %get3A_152 = vector.load %arg3[%get3A_150, %get3A_151] : memref<128x1xf32, #tpu.memory_space<vmem>>, vector<128x1xf32>
    %add3A_153 = vector.broadcast %get3A_152 : vector<128x1xf32> to vector<128x512xf32>
    %add3A_154 = arith.addf %dot_general3A_149, %add3A_153 : vector<128x512xf32>
    %max3A_155 = arith.constant 0.000000e+00 : f32
    %max3A_156 = vector.broadcast %max3A_155 : f32 to vector<128x512xf32>
    %max3A_157 = arith.maximumf %add3A_154, %max3A_156 : vector<128x512xf32>
    %concatenate3A_158 = tpu.concatenate %max3A_59, %max3A_73, %max3A_87, %max3A_101, %max3A_115, %max3A_129, %max3A_143, %max3A_157 in 0 : vector<128x512xf32>, vector<128x512xf32>, vector<128x512xf32>, vector<128x512xf32>, vector<128x512xf32>, vector<128x512xf32>, vector<128x512xf32>, vector<128x512xf32> -> vector<1024x512xf32>
    %get3A_159 = arith.constant 0 : index
    %get3A_160 = arith.constant 0 : index
    %get3A_161 = vector.load %arg4[%get3A_159, %get3A_160] : memref<32x1024xf32, #tpu.memory_space<vmem>>, vector<32x1024xf32>
    %dot_general3A_162 = arith.constant dense<0.000000e+00> : vector<32x512xf32>
    %dot_general3A_163 = tpu.matmul %get3A_161, %concatenate3A_158, %dot_general3A_162 {dimension_numbers = #tpu.dot_dimension_numbers<[1], [0], [0], [1], [0, 0, 1, 1], [], []>, transpose_lhs_hint = false} : vector<32x1024xf32>, vector<1024x512xf32>, vector<32x512xf32> -> vector<32x512xf32>
    %get3A_164 = arith.constant 0 : index
    %get3A_165 = arith.constant 0 : index
    %get3A_166 = vector.load %arg5[%get3A_164, %get3A_165] : memref<1x1xf32, #tpu.memory_space<vmem>>, vector<1x1xf32>
    %add3A_167 = vector.broadcast %get3A_166 : vector<1x1xf32> to vector<32x512xf32>
    %add3A_168 = arith.addf %dot_general3A_163, %add3A_167 : vector<32x512xf32>
    %slice3A_169 = vector.extract_strided_slice %get3A_1 {offsets = [0, 0], sizes = [64, 512], strides = [1, 1]} : vector<2048x512xf32> to vector<64x512xf32>
    %slice3A_170 = vector.extract_strided_slice %get3A_1 {offsets = [64, 0], sizes = [64, 512], strides = [1, 1]} : vector<2048x512xf32> to vector<64x512xf32>
    %add3A_171 = arith.addf %slice3A_169, %slice3A_170 : vector<64x512xf32>
    %slice3A_172 = vector.extract_strided_slice %get3A_1 {offsets = [128, 0], sizes = [64, 512], strides = [1, 1]} : vector<2048x512xf32> to vector<64x512xf32>
    %slice3A_173 = vector.extract_strided_slice %get3A_1 {offsets = [192, 0], sizes = [64, 512], strides = [1, 1]} : vector<2048x512xf32> to vector<64x512xf32>
    %add3A_174 = arith.addf %slice3A_172, %slice3A_173 : vector<64x512xf32>
    %add3A_175 = arith.addf %add3A_171, %add3A_174 : vector<64x512xf32>
    %slice3A_176 = vector.extract_strided_slice %get3A_1 {offsets = [256, 0], sizes = [64, 512], strides = [1, 1]} : vector<2048x512xf32> to vector<64x512xf32>
    %slice3A_177 = vector.extract_strided_slice %get3A_1 {offsets = [320, 0], sizes = [64, 512], strides = [1, 1]} : vector<2048x512xf32> to vector<64x512xf32>
    %add3A_178 = arith.addf %slice3A_176, %slice3A_177 : vector<64x512xf32>
    %slice3A_179 = vector.extract_strided_slice %get3A_1 {offsets = [384, 0], sizes = [64, 512], strides = [1, 1]} : vector<2048x512xf32> to vector<64x512xf32>
    %slice3A_180 = vector.extract_strided_slice %get3A_1 {offsets = [448, 0], sizes = [64, 512], strides = [1, 1]} : vector<2048x512xf32> to vector<64x512xf32>
    %add3A_181 = arith.addf %slice3A_179, %slice3A_180 : vector<64x512xf32>
    %add3A_182 = arith.addf %add3A_178, %add3A_181 : vector<64x512xf32>
    %add3A_183 = arith.addf %add3A_175, %add3A_182 : vector<64x512xf32>
    %mul3A = arith.constant 1.250000e-01 : f32
    %mul3A_184 = vector.broadcast %mul3A : f32 to vector<64x512xf32>
    %mul3A_185 = arith.mulf %add3A_183, %mul3A_184 : vector<64x512xf32>
    %get3A_186 = arith.constant 0 : index
    %get3A_187 = arith.constant 0 : index
    %get3A_188 = vector.load %arg6[%get3A_186, %get3A_187] : memref<64x64xf32, #tpu.memory_space<vmem>>, vector<64x64xf32>
    %dot_general3A_189 = arith.constant dense<0.000000e+00> : vector<64x512xf32>
    %dot_general3A_190 = tpu.matmul %get3A_188, %mul3A_185, %dot_general3A_189 {dimension_numbers = #tpu.dot_dimension_numbers<[1], [0], [0], [1], [0, 0, 1, 1], [], []>, transpose_lhs_hint = false} : vector<64x64xf32>, vector<64x512xf32>, vector<64x512xf32> -> vector<64x512xf32>
    %get3A_191 = arith.constant 0 : index
    %get3A_192 = arith.constant 0 : index
    %get3A_193 = vector.load %arg7[%get3A_191, %get3A_192] : memref<64x1xf32, #tpu.memory_space<vmem>>, vector<64x1xf32>
    %add3A_194 = vector.broadcast %get3A_193 : vector<64x1xf32> to vector<64x512xf32>
    %add3A_195 = arith.addf %dot_general3A_190, %add3A_194 : vector<64x512xf32>
    %slice3A_196 = vector.extract_strided_slice %get3A_1 {offsets = [512, 0], sizes = [64, 512], strides = [1, 1]} : vector<2048x512xf32> to vector<64x512xf32>
    %slice3A_197 = vector.extract_strided_slice %get3A_1 {offsets = [576, 0], sizes = [64, 512], strides = [1, 1]} : vector<2048x512xf32> to vector<64x512xf32>
    %add3A_198 = arith.addf %slice3A_196, %slice3A_197 : vector<64x512xf32>
    %slice3A_199 = vector.extract_strided_slice %get3A_1 {offsets = [640, 0], sizes = [64, 512], strides = [1, 1]} : vector<2048x512xf32> to vector<64x512xf32>
    %slice3A_200 = vector.extract_strided_slice %get3A_1 {offsets = [704, 0], sizes = [64, 512], strides = [1, 1]} : vector<2048x512xf32> to vector<64x512xf32>
    %add3A_201 = arith.addf %slice3A_199, %slice3A_200 : vector<64x512xf32>
    %add3A_202 = arith.addf %add3A_198, %add3A_201 : vector<64x512xf32>
    %slice3A_203 = vector.extract_strided_slice %get3A_1 {offsets = [768, 0], sizes = [64, 512], strides = [1, 1]} : vector<2048x512xf32> to vector<64x512xf32>
    %slice3A_204 = vector.extract_strided_slice %get3A_1 {offsets = [832, 0], sizes = [64, 512], strides = [1, 1]} : vector<2048x512xf32> to vector<64x512xf32>
    %add3A_205 = arith.addf %slice3A_203, %slice3A_204 : vector<64x512xf32>
    %slice3A_206 = vector.extract_strided_slice %get3A_1 {offsets = [896, 0], sizes = [64, 512], strides = [1, 1]} : vector<2048x512xf32> to vector<64x512xf32>
    %slice3A_207 = vector.extract_strided_slice %get3A_1 {offsets = [960, 0], sizes = [64, 512], strides = [1, 1]} : vector<2048x512xf32> to vector<64x512xf32>
    %add3A_208 = arith.addf %slice3A_206, %slice3A_207 : vector<64x512xf32>
    %add3A_209 = arith.addf %add3A_205, %add3A_208 : vector<64x512xf32>
    %add3A_210 = arith.addf %add3A_202, %add3A_209 : vector<64x512xf32>
    %mul3A_211 = arith.constant 1.250000e-01 : f32
    %mul3A_212 = vector.broadcast %mul3A_211 : f32 to vector<64x512xf32>
    %mul3A_213 = arith.mulf %add3A_210, %mul3A_212 : vector<64x512xf32>
    %get3A_214 = arith.constant 0 : index
    %get3A_215 = arith.constant 0 : index
    %get3A_216 = vector.load %arg6[%get3A_214, %get3A_215] : memref<64x64xf32, #tpu.memory_space<vmem>>, vector<64x64xf32>
    %dot_general3A_217 = arith.constant dense<0.000000e+00> : vector<64x512xf32>
    %dot_general3A_218 = tpu.matmul %get3A_216, %mul3A_213, %dot_general3A_217 {dimension_numbers = #tpu.dot_dimension_numbers<[1], [0], [0], [1], [0, 0, 1, 1], [], []>, transpose_lhs_hint = false} : vector<64x64xf32>, vector<64x512xf32>, vector<64x512xf32> -> vector<64x512xf32>
    %get3A_219 = arith.constant 0 : index
    %get3A_220 = arith.constant 0 : index
    %get3A_221 = vector.load %arg7[%get3A_219, %get3A_220] : memref<64x1xf32, #tpu.memory_space<vmem>>, vector<64x1xf32>
    %add3A_222 = vector.broadcast %get3A_221 : vector<64x1xf32> to vector<64x512xf32>
    %add3A_223 = arith.addf %dot_general3A_218, %add3A_222 : vector<64x512xf32>
    %slice3A_224 = vector.extract_strided_slice %get3A_1 {offsets = [1024, 0], sizes = [64, 512], strides = [1, 1]} : vector<2048x512xf32> to vector<64x512xf32>
    %slice3A_225 = vector.extract_strided_slice %get3A_1 {offsets = [1088, 0], sizes = [64, 512], strides = [1, 1]} : vector<2048x512xf32> to vector<64x512xf32>
    %add3A_226 = arith.addf %slice3A_224, %slice3A_225 : vector<64x512xf32>
    %slice3A_227 = vector.extract_strided_slice %get3A_1 {offsets = [1152, 0], sizes = [64, 512], strides = [1, 1]} : vector<2048x512xf32> to vector<64x512xf32>
    %slice3A_228 = vector.extract_strided_slice %get3A_1 {offsets = [1216, 0], sizes = [64, 512], strides = [1, 1]} : vector<2048x512xf32> to vector<64x512xf32>
    %add3A_229 = arith.addf %slice3A_227, %slice3A_228 : vector<64x512xf32>
    %add3A_230 = arith.addf %add3A_226, %add3A_229 : vector<64x512xf32>
    %slice3A_231 = vector.extract_strided_slice %get3A_1 {offsets = [1280, 0], sizes = [64, 512], strides = [1, 1]} : vector<2048x512xf32> to vector<64x512xf32>
    %slice3A_232 = vector.extract_strided_slice %get3A_1 {offsets = [1344, 0], sizes = [64, 512], strides = [1, 1]} : vector<2048x512xf32> to vector<64x512xf32>
    %add3A_233 = arith.addf %slice3A_231, %slice3A_232 : vector<64x512xf32>
    %slice3A_234 = vector.extract_strided_slice %get3A_1 {offsets = [1408, 0], sizes = [64, 512], strides = [1, 1]} : vector<2048x512xf32> to vector<64x512xf32>
    %slice3A_235 = vector.extract_strided_slice %get3A_1 {offsets = [1472, 0], sizes = [64, 512], strides = [1, 1]} : vector<2048x512xf32> to vector<64x512xf32>
    %add3A_236 = arith.addf %slice3A_234, %slice3A_235 : vector<64x512xf32>
    %add3A_237 = arith.addf %add3A_233, %add3A_236 : vector<64x512xf32>
    %add3A_238 = arith.addf %add3A_230, %add3A_237 : vector<64x512xf32>
    %mul3A_239 = arith.constant 1.250000e-01 : f32
    %mul3A_240 = vector.broadcast %mul3A_239 : f32 to vector<64x512xf32>
    %mul3A_241 = arith.mulf %add3A_238, %mul3A_240 : vector<64x512xf32>
    %get3A_242 = arith.constant 0 : index
    %get3A_243 = arith.constant 0 : index
    %get3A_244 = vector.load %arg6[%get3A_242, %get3A_243] : memref<64x64xf32, #tpu.memory_space<vmem>>, vector<64x64xf32>
    %dot_general3A_245 = arith.constant dense<0.000000e+00> : vector<64x512xf32>
    %dot_general3A_246 = tpu.matmul %get3A_244, %mul3A_241, %dot_general3A_245 {dimension_numbers = #tpu.dot_dimension_numbers<[1], [0], [0], [1], [0, 0, 1, 1], [], []>, transpose_lhs_hint = false} : vector<64x64xf32>, vector<64x512xf32>, vector<64x512xf32> -> vector<64x512xf32>
    %get3A_247 = arith.constant 0 : index
    %get3A_248 = arith.constant 0 : index
    %get3A_249 = vector.load %arg7[%get3A_247, %get3A_248] : memref<64x1xf32, #tpu.memory_space<vmem>>, vector<64x1xf32>
    %add3A_250 = vector.broadcast %get3A_249 : vector<64x1xf32> to vector<64x512xf32>
    %add3A_251 = arith.addf %dot_general3A_246, %add3A_250 : vector<64x512xf32>
    %slice3A_252 = vector.extract_strided_slice %get3A_1 {offsets = [1536, 0], sizes = [64, 512], strides = [1, 1]} : vector<2048x512xf32> to vector<64x512xf32>
    %slice3A_253 = vector.extract_strided_slice %get3A_1 {offsets = [1600, 0], sizes = [64, 512], strides = [1, 1]} : vector<2048x512xf32> to vector<64x512xf32>
    %add3A_254 = arith.addf %slice3A_252, %slice3A_253 : vector<64x512xf32>
    %slice3A_255 = vector.extract_strided_slice %get3A_1 {offsets = [1664, 0], sizes = [64, 512], strides = [1, 1]} : vector<2048x512xf32> to vector<64x512xf32>
    %slice3A_256 = vector.extract_strided_slice %get3A_1 {offsets = [1728, 0], sizes = [64, 512], strides = [1, 1]} : vector<2048x512xf32> to vector<64x512xf32>
    %add3A_257 = arith.addf %slice3A_255, %slice3A_256 : vector<64x512xf32>
    %add3A_258 = arith.addf %add3A_254, %add3A_257 : vector<64x512xf32>
    %slice3A_259 = vector.extract_strided_slice %get3A_1 {offsets = [1792, 0], sizes = [64, 512], strides = [1, 1]} : vector<2048x512xf32> to vector<64x512xf32>
    %slice3A_260 = vector.extract_strided_slice %get3A_1 {offsets = [1856, 0], sizes = [64, 512], strides = [1, 1]} : vector<2048x512xf32> to vector<64x512xf32>
    %add3A_261 = arith.addf %slice3A_259, %slice3A_260 : vector<64x512xf32>
    %slice3A_262 = vector.extract_strided_slice %get3A_1 {offsets = [1920, 0], sizes = [64, 512], strides = [1, 1]} : vector<2048x512xf32> to vector<64x512xf32>
    %slice3A_263 = vector.extract_strided_slice %get3A_1 {offsets = [1984, 0], sizes = [64, 512], strides = [1, 1]} : vector<2048x512xf32> to vector<64x512xf32>
    %add3A_264 = arith.addf %slice3A_262, %slice3A_263 : vector<64x512xf32>
    %add3A_265 = arith.addf %add3A_261, %add3A_264 : vector<64x512xf32>
    %add3A_266 = arith.addf %add3A_258, %add3A_265 : vector<64x512xf32>
    %mul3A_267 = arith.constant 1.250000e-01 : f32
    %mul3A_268 = vector.broadcast %mul3A_267 : f32 to vector<64x512xf32>
    %mul3A_269 = arith.mulf %add3A_266, %mul3A_268 : vector<64x512xf32>
    %get3A_270 = arith.constant 0 : index
    %get3A_271 = arith.constant 0 : index
    %get3A_272 = vector.load %arg6[%get3A_270, %get3A_271] : memref<64x64xf32, #tpu.memory_space<vmem>>, vector<64x64xf32>
    %dot_general3A_273 = arith.constant dense<0.000000e+00> : vector<64x512xf32>
    %dot_general3A_274 = tpu.matmul %get3A_272, %mul3A_269, %dot_general3A_273 {dimension_numbers = #tpu.dot_dimension_numbers<[1], [0], [0], [1], [0, 0, 1, 1], [], []>, transpose_lhs_hint = false} : vector<64x64xf32>, vector<64x512xf32>, vector<64x512xf32> -> vector<64x512xf32>
    %get3A_275 = arith.constant 0 : index
    %get3A_276 = arith.constant 0 : index
    %get3A_277 = vector.load %arg7[%get3A_275, %get3A_276] : memref<64x1xf32, #tpu.memory_space<vmem>>, vector<64x1xf32>
    %add3A_278 = vector.broadcast %get3A_277 : vector<64x1xf32> to vector<64x512xf32>
    %add3A_279 = arith.addf %dot_general3A_274, %add3A_278 : vector<64x512xf32>
    %get3A_280 = arith.constant 0 : index
    %get3A_281 = arith.constant 0 : index
    %get3A_282 = vector.load %arg8[%get3A_280, %get3A_281] : memref<64x256xf32, #tpu.memory_space<vmem>>, vector<64x64xf32>
    %dot_general3A_283 = arith.constant dense<0.000000e+00> : vector<64x512xf32>
    %dot_general3A_284 = tpu.matmul %get3A_282, %add3A_195, %dot_general3A_283 {dimension_numbers = #tpu.dot_dimension_numbers<[1], [0], [0], [1], [0, 0, 1, 1], [], []>, transpose_lhs_hint = false} : vector<64x64xf32>, vector<64x512xf32>, vector<64x512xf32> -> vector<64x512xf32>
    %get3A_285 = arith.constant 0 : index
    %get3A_286 = arith.constant 64 : index
    %get3A_287 = vector.load %arg8[%get3A_285, %get3A_286] : memref<64x256xf32, #tpu.memory_space<vmem>>, vector<64x64xf32>
    %dot_general3A_288 = arith.constant dense<0.000000e+00> : vector<64x512xf32>
    %dot_general3A_289 = tpu.matmul %get3A_287, %add3A_223, %dot_general3A_288 {dimension_numbers = #tpu.dot_dimension_numbers<[1], [0], [0], [1], [0, 0, 1, 1], [], []>, transpose_lhs_hint = false} : vector<64x64xf32>, vector<64x512xf32>, vector<64x512xf32> -> vector<64x512xf32>
    %add3A_290 = arith.addf %dot_general3A_284, %dot_general3A_289 : vector<64x512xf32>
    %get3A_291 = arith.constant 0 : index
    %get3A_292 = arith.constant 128 : index
    %get3A_293 = vector.load %arg8[%get3A_291, %get3A_292] : memref<64x256xf32, #tpu.memory_space<vmem>>, vector<64x64xf32>
    %dot_general3A_294 = arith.constant dense<0.000000e+00> : vector<64x512xf32>
    %dot_general3A_295 = tpu.matmul %get3A_293, %add3A_251, %dot_general3A_294 {dimension_numbers = #tpu.dot_dimension_numbers<[1], [0], [0], [1], [0, 0, 1, 1], [], []>, transpose_lhs_hint = false} : vector<64x64xf32>, vector<64x512xf32>, vector<64x512xf32> -> vector<64x512xf32>
    %get3A_296 = arith.constant 0 : index
    %get3A_297 = arith.constant 192 : index
    %get3A_298 = vector.load %arg8[%get3A_296, %get3A_297] : memref<64x256xf32, #tpu.memory_space<vmem>>, vector<64x64xf32>
    %dot_general3A_299 = arith.constant dense<0.000000e+00> : vector<64x512xf32>
    %dot_general3A_300 = tpu.matmul %get3A_298, %add3A_279, %dot_general3A_299 {dimension_numbers = #tpu.dot_dimension_numbers<[1], [0], [0], [1], [0, 0, 1, 1], [], []>, transpose_lhs_hint = false} : vector<64x64xf32>, vector<64x512xf32>, vector<64x512xf32> -> vector<64x512xf32>
    %add3A_301 = arith.addf %dot_general3A_295, %dot_general3A_300 : vector<64x512xf32>
    %add3A_302 = arith.addf %add3A_290, %add3A_301 : vector<64x512xf32>
    %get3A_303 = arith.constant 0 : index
    %get3A_304 = arith.constant 0 : index
    %get3A_305 = vector.load %arg9[%get3A_303, %get3A_304] : memref<64x1xf32, #tpu.memory_space<vmem>>, vector<64x1xf32>
    %add3A_306 = vector.broadcast %get3A_305 : vector<64x1xf32> to vector<64x512xf32>
    %add3A_307 = arith.addf %add3A_302, %add3A_306 : vector<64x512xf32>
    %max3A_308 = arith.constant 0.000000e+00 : f32
    %max3A_309 = vector.broadcast %max3A_308 : f32 to vector<64x512xf32>
    %max3A_310 = arith.maximumf %add3A_307, %max3A_309 : vector<64x512xf32>
    %get3A_311 = arith.constant 0 : index
    %get3A_312 = arith.constant 0 : index
    %get3A_313 = vector.load %arg10[%get3A_311, %get3A_312] : memref<4x64xf32, #tpu.memory_space<vmem>>, vector<4x64xf32>
    %dot_general3A_314 = arith.constant dense<0.000000e+00> : vector<4x512xf32>
    %dot_general3A_315 = tpu.matmul %get3A_313, %max3A_310, %dot_general3A_314 {dimension_numbers = #tpu.dot_dimension_numbers<[1], [0], [0], [1], [0, 0, 1, 1], [], []>, transpose_lhs_hint = false} : vector<4x64xf32>, vector<64x512xf32>, vector<4x512xf32> -> vector<4x512xf32>
    %get3A_316 = arith.constant 0 : index
    %get3A_317 = arith.constant 0 : index
    %get3A_318 = vector.load %arg11[%get3A_316, %get3A_317] : memref<4x1xf32, #tpu.memory_space<vmem>>, vector<4x1xf32>
    %add3A_319 = vector.broadcast %get3A_318 : vector<4x1xf32> to vector<4x512xf32>
    %add3A_320 = arith.addf %dot_general3A_315, %add3A_319 : vector<4x512xf32>
    %reduce_max3A = arith.constant dense<0xFF800000> : vector<512xf32>
    %reduce_max3A_321 = vector.multi_reduction <maximumf>, %add3A_320, %reduce_max3A [0] : vector<4x512xf32> to vector<512xf32>
    %broadcast_in_dim3A_322 = vector.shape_cast %reduce_max3A_321 : vector<512xf32> to vector<1x512xf32>
    %sub3A = vector.broadcast %broadcast_in_dim3A_322 : vector<1x512xf32> to vector<4x512xf32>
    %sub3A_323 = arith.subf %add3A_320, %sub3A : vector<4x512xf32>
    %exp3A = math.exp %sub3A_323 : vector<4x512xf32>
    %reduce_sum3A = arith.constant dense<0.000000e+00> : vector<512xf32>
    %reduce_sum3A_324 = vector.multi_reduction <add>, %exp3A, %reduce_sum3A [0] : vector<4x512xf32> to vector<512xf32>
    %broadcast_in_dim3A_325 = vector.shape_cast %reduce_sum3A_324 : vector<512xf32> to vector<1x512xf32>
    %div3A = vector.broadcast %broadcast_in_dim3A_325 : vector<1x512xf32> to vector<4x512xf32>
    %div3A_326 = arith.divf %exp3A, %div3A : vector<4x512xf32>
    %mul3A_327 = arith.constant 6.000000e+00 : f32
    %mul3A_328 = vector.broadcast %mul3A_327 : f32 to vector<4x512xf32>
    %mul3A_329 = arith.mulf %div3A_326, %mul3A_328 : vector<4x512xf32>
    %floor3A = math.floor %mul3A_329 : vector<4x512xf32>
    %sub3A_330 = arith.subf %mul3A_329, %floor3A : vector<4x512xf32>
    %convert_element_type3A = arith.fptosi %floor3A : vector<4x512xf32> to vector<4x512xi32>
    %reduce_sum3A_331 = arith.constant dense<0> : vector<512xi32>
    %reduce_sum3A_332 = vector.multi_reduction <add>, %convert_element_type3A, %reduce_sum3A_331 [0] : vector<4x512xi32> to vector<512xi32>
    %broadcast_in_dim3A_333 = vector.shape_cast %reduce_sum3A_332 : vector<512xi32> to vector<1x512xi32>
    %sub3A_334 = arith.constant 6 : i32
    %sub3A_335 = vector.broadcast %sub3A_334 : i32 to vector<1x512xi32>
    %sub3A_336 = arith.subi %sub3A_335, %broadcast_in_dim3A_333 : vector<1x512xi32>
    %iota3A = tpu.iota {dimensions = array<i32: 0>} : vector<4x1xi32>
    %broadcast_in_dim3A_337 = arith.constant 0 : i32
    %broadcast_in_dim3A_338 = vector.broadcast %broadcast_in_dim3A_337 : i32 to vector<4x512xi32>
    %slice3A_339 = vector.extract_strided_slice %sub3A_330 {offsets = [0, 0], sizes = [1, 512], strides = [1, 1]} : vector<4x512xf32> to vector<1x512xf32>
    %gt3A = vector.broadcast %slice3A_339 : vector<1x512xf32> to vector<4x512xf32>
    %gt3A_340 = arith.cmpf ogt, %gt3A, %sub3A_330 : vector<4x512xf32>
    %eq3A = vector.broadcast %slice3A_339 : vector<1x512xf32> to vector<4x512xf32>
    %eq3A_341 = arith.cmpf oeq, %eq3A, %sub3A_330 : vector<4x512xf32>
    %gt3A_342 = arith.constant 0 : i32
    %gt3A_343 = vector.broadcast %gt3A_342 : i32 to vector<4x1xi32>
    %gt3A_344 = arith.cmpi sgt, %iota3A, %gt3A_343 : vector<4x1xi32>
    %and3A = vector.broadcast %gt3A_344 : vector<4x1xi1> to vector<4x512xi1>
    %and3A_345 = arith.andi %eq3A_341, %and3A : vector<4x512xi1>
    %or3A = arith.ori %gt3A_340, %and3A_345 : vector<4x512xi1>
    %convert_element_type3A_346 = arith.extui %or3A : vector<4x512xi1> to vector<4x512xi32>
    %add3A_347 = arith.addi %broadcast_in_dim3A_338, %convert_element_type3A_346 : vector<4x512xi32>
    %slice3A_348 = vector.extract_strided_slice %sub3A_330 {offsets = [1, 0], sizes = [1, 512], strides = [1, 1]} : vector<4x512xf32> to vector<1x512xf32>
    %gt3A_349 = vector.broadcast %slice3A_348 : vector<1x512xf32> to vector<4x512xf32>
    %gt3A_350 = arith.cmpf ogt, %gt3A_349, %sub3A_330 : vector<4x512xf32>
    %eq3A_351 = vector.broadcast %slice3A_348 : vector<1x512xf32> to vector<4x512xf32>
    %eq3A_352 = arith.cmpf oeq, %eq3A_351, %sub3A_330 : vector<4x512xf32>
    %gt3A_353 = arith.constant 1 : i32
    %gt3A_354 = vector.broadcast %gt3A_353 : i32 to vector<4x1xi32>
    %gt3A_355 = arith.cmpi sgt, %iota3A, %gt3A_354 : vector<4x1xi32>
    %and3A_356 = vector.broadcast %gt3A_355 : vector<4x1xi1> to vector<4x512xi1>
    %and3A_357 = arith.andi %eq3A_352, %and3A_356 : vector<4x512xi1>
    %or3A_358 = arith.ori %gt3A_350, %and3A_357 : vector<4x512xi1>
    %convert_element_type3A_359 = arith.extui %or3A_358 : vector<4x512xi1> to vector<4x512xi32>
    %add3A_360 = arith.addi %add3A_347, %convert_element_type3A_359 : vector<4x512xi32>
    %slice3A_361 = vector.extract_strided_slice %sub3A_330 {offsets = [2, 0], sizes = [1, 512], strides = [1, 1]} : vector<4x512xf32> to vector<1x512xf32>
    %gt3A_362 = vector.broadcast %slice3A_361 : vector<1x512xf32> to vector<4x512xf32>
    %gt3A_363 = arith.cmpf ogt, %gt3A_362, %sub3A_330 : vector<4x512xf32>
    %eq3A_364 = vector.broadcast %slice3A_361 : vector<1x512xf32> to vector<4x512xf32>
    %eq3A_365 = arith.cmpf oeq, %eq3A_364, %sub3A_330 : vector<4x512xf32>
    %gt3A_366 = arith.constant 2 : i32
    %gt3A_367 = vector.broadcast %gt3A_366 : i32 to vector<4x1xi32>
    %gt3A_368 = arith.cmpi sgt, %iota3A, %gt3A_367 : vector<4x1xi32>
    %and3A_369 = vector.broadcast %gt3A_368 : vector<4x1xi1> to vector<4x512xi1>
    %and3A_370 = arith.andi %eq3A_365, %and3A_369 : vector<4x512xi1>
    %or3A_371 = arith.ori %gt3A_363, %and3A_370 : vector<4x512xi1>
    %convert_element_type3A_372 = arith.extui %or3A_371 : vector<4x512xi1> to vector<4x512xi32>
    %add3A_373 = arith.addi %add3A_360, %convert_element_type3A_372 : vector<4x512xi32>
    %slice3A_374 = vector.extract_strided_slice %sub3A_330 {offsets = [3, 0], sizes = [1, 512], strides = [1, 1]} : vector<4x512xf32> to vector<1x512xf32>
    %gt3A_375 = vector.broadcast %slice3A_374 : vector<1x512xf32> to vector<4x512xf32>
    %gt3A_376 = arith.cmpf ogt, %gt3A_375, %sub3A_330 : vector<4x512xf32>
    %eq3A_377 = vector.broadcast %slice3A_374 : vector<1x512xf32> to vector<4x512xf32>
    %eq3A_378 = arith.cmpf oeq, %eq3A_377, %sub3A_330 : vector<4x512xf32>
    %gt3A_379 = arith.constant 3 : i32
    %gt3A_380 = vector.broadcast %gt3A_379 : i32 to vector<4x1xi32>
    %gt3A_381 = arith.cmpi sgt, %iota3A, %gt3A_380 : vector<4x1xi32>
    %and3A_382 = vector.broadcast %gt3A_381 : vector<4x1xi1> to vector<4x512xi1>
    %and3A_383 = arith.andi %eq3A_378, %and3A_382 : vector<4x512xi1>
    %or3A_384 = arith.ori %gt3A_376, %and3A_383 : vector<4x512xi1>
    %convert_element_type3A_385 = arith.extui %or3A_384 : vector<4x512xi1> to vector<4x512xi32>
    %add3A_386 = arith.addi %add3A_373, %convert_element_type3A_385 : vector<4x512xi32>
    %lt3A = vector.broadcast %sub3A_336 : vector<1x512xi32> to vector<4x512xi32>
    %lt3A_387 = arith.cmpi slt, %add3A_386, %lt3A : vector<4x512xi32>
    %convert_element_type3A_388 = arith.extui %lt3A_387 : vector<4x512xi1> to vector<4x512xi32>
    %add3A_389 = arith.addi %convert_element_type3A, %convert_element_type3A_388 : vector<4x512xi32>
    %convert_element_type3A_390 = arith.sitofp %add3A_389 : vector<4x512xi32> to vector<4x512xf32>
    %swap3A_391 = arith.constant 0 : index
    %swap3A_392 = arith.constant 0 : index
    %swap3A_393 = vector.load %arg14[%swap3A_391, %swap3A_392] : memref<4x512xf32, #tpu.memory_space<vmem>>, vector<4x512xf32>
    tpu.vector_store %arg14[%swap3A_391, %swap3A_392], %convert_element_type3A_390 {strides = array<i32>} : memref<4x512xf32, #tpu.memory_space<vmem>>, vector<4x512xf32>,
    %broadcast_in_dim3A_394 = arith.constant 0 : i32
    %broadcast_in_dim3A_395 = vector.broadcast %broadcast_in_dim3A_394 : i32 to vector<4x512xi32>
    %gt3A_396 = arith.constant 0 : i32
    %gt3A_397 = vector.broadcast %gt3A_396 : i32 to vector<4x1xi32>
    %gt3A_398 = arith.cmpi sgt, %iota3A, %gt3A_397 : vector<4x1xi32>
    %slice3A_399 = vector.extract_strided_slice %add3A_389 {offsets = [0, 0], sizes = [1, 512], strides = [1, 1]} : vector<4x512xi32> to vector<1x512xi32>
    %jit3A = arith.constant 0 : i32
    %broadcast_in_dim3A_400 = vector.shape_cast %gt3A_398 : vector<4x1xi1> to vector<4x1xi1>
    %broadcast_in_dim3A_401 = vector.broadcast %broadcast_in_dim3A_400 : vector<4x1xi1> to vector<4x512xi1>
    %broadcast_in_dim3A_402 = vector.shape_cast %slice3A_399 : vector<1x512xi32> to vector<1x512xi32>
    %broadcast_in_dim3A_403 = vector.broadcast %broadcast_in_dim3A_402 : vector<1x512xi32> to vector<4x512xi32>
    %broadcast_in_dim3A_404 = vector.broadcast %jit3A : i32 to vector<4x512xi32>
    %select_n3A = arith.select %broadcast_in_dim3A_401, %broadcast_in_dim3A_403, %broadcast_in_dim3A_404 : vector<4x512xi1>, vector<4x512xi32>
    %add3A_405 = arith.addi %broadcast_in_dim3A_395, %select_n3A : vector<4x512xi32>
    %gt3A_406 = arith.constant 1 : i32
    %gt3A_407 = vector.broadcast %gt3A_406 : i32 to vector<4x1xi32>
    %gt3A_408 = arith.cmpi sgt, %iota3A, %gt3A_407 : vector<4x1xi32>
    %slice3A_409 = vector.extract_strided_slice %add3A_389 {offsets = [1, 0], sizes = [1, 512], strides = [1, 1]} : vector<4x512xi32> to vector<1x512xi32>
    %jit3A_410 = arith.constant 0 : i32
    %broadcast_in_dim3A_411 = vector.shape_cast %gt3A_408 : vector<4x1xi1> to vector<4x1xi1>
    %broadcast_in_dim3A_412 = vector.broadcast %broadcast_in_dim3A_411 : vector<4x1xi1> to vector<4x512xi1>
    %broadcast_in_dim3A_413 = vector.shape_cast %slice3A_409 : vector<1x512xi32> to vector<1x512xi32>
    %broadcast_in_dim3A_414 = vector.broadcast %broadcast_in_dim3A_413 : vector<1x512xi32> to vector<4x512xi32>
    %broadcast_in_dim3A_415 = vector.broadcast %jit3A_410 : i32 to vector<4x512xi32>
    %select_n3A_416 = arith.select %broadcast_in_dim3A_412, %broadcast_in_dim3A_414, %broadcast_in_dim3A_415 : vector<4x512xi1>, vector<4x512xi32>
    %add3A_417 = arith.addi %add3A_405, %select_n3A_416 : vector<4x512xi32>
    %gt3A_418 = arith.constant 2 : i32
    %gt3A_419 = vector.broadcast %gt3A_418 : i32 to vector<4x1xi32>
    %gt3A_420 = arith.cmpi sgt, %iota3A, %gt3A_419 : vector<4x1xi32>
    %slice3A_421 = vector.extract_strided_slice %add3A_389 {offsets = [2, 0], sizes = [1, 512], strides = [1, 1]} : vector<4x512xi32> to vector<1x512xi32>
    %jit3A_422 = arith.constant 0 : i32
    %broadcast_in_dim3A_423 = vector.shape_cast %gt3A_420 : vector<4x1xi1> to vector<4x1xi1>
    %broadcast_in_dim3A_424 = vector.broadcast %broadcast_in_dim3A_423 : vector<4x1xi1> to vector<4x512xi1>
    %broadcast_in_dim3A_425 = vector.shape_cast %slice3A_421 : vector<1x512xi32> to vector<1x512xi32>
    %broadcast_in_dim3A_426 = vector.broadcast %broadcast_in_dim3A_425 : vector<1x512xi32> to vector<4x512xi32>
    %broadcast_in_dim3A_427 = vector.broadcast %jit3A_422 : i32 to vector<4x512xi32>
    %select_n3A_428 = arith.select %broadcast_in_dim3A_424, %broadcast_in_dim3A_426, %broadcast_in_dim3A_427 : vector<4x512xi1>, vector<4x512xi32>
    %add3A_429 = arith.addi %add3A_417, %select_n3A_428 : vector<4x512xi32>
    %iota3A_430 = tpu.iota {dimensions = array<i32: 0>} : vector<8x1xi32>
    %broadcast_in_dim3A_431 = arith.constant 0 : i32
    %broadcast_in_dim3A_432 = vector.broadcast %broadcast_in_dim3A_431 : i32 to vector<1x512xi32>
    %broadcast_in_dim3A_433 = arith.constant 0 : i32
    %broadcast_in_dim3A_434 = vector.broadcast %broadcast_in_dim3A_433 : i32 to vector<1x512xi32>
    %broadcast_in_dim3A_435 = arith.constant 0 : i32
    %broadcast_in_dim3A_436 = vector.broadcast %broadcast_in_dim3A_435 : i32 to vector<1x512xi32>
    %broadcast_in_dim3A_437 = arith.constant 0 : i32
    %broadcast_in_dim3A_438 = vector.broadcast %broadcast_in_dim3A_437 : i32 to vector<1x512xi32>
    %broadcast_in_dim3A_439 = arith.constant 0 : i32
    %broadcast_in_dim3A_440 = vector.broadcast %broadcast_in_dim3A_439 : i32 to vector<1x512xi32>
    %broadcast_in_dim3A_441 = arith.constant 0 : i32
    %broadcast_in_dim3A_442 = vector.broadcast %broadcast_in_dim3A_441 : i32 to vector<1x512xi32>
    %slice3A_443 = vector.extract_strided_slice %add3A_168 {offsets = [0, 0], sizes = [8, 512], strides = [1, 1]} : vector<32x512xf32> to vector<8x512xf32>
    %broadcast_in_dim3A_444 = arith.constant 0 : i32
    %broadcast_in_dim3A_445 = vector.broadcast %broadcast_in_dim3A_444 : i32 to vector<8x512xi32>
    %slice3A_446 = vector.extract_strided_slice %slice3A_443 {offsets = [0, 0], sizes = [1, 512], strides = [1, 1]} : vector<8x512xf32> to vector<1x512xf32>
    %gt3A_447 = vector.broadcast %slice3A_446 : vector<1x512xf32> to vector<8x512xf32>
    %gt3A_448 = arith.cmpf ogt, %gt3A_447, %slice3A_443 : vector<8x512xf32>
    %eq3A_449 = vector.broadcast %slice3A_446 : vector<1x512xf32> to vector<8x512xf32>
    %eq3A_450 = arith.cmpf oeq, %eq3A_449, %slice3A_443 : vector<8x512xf32>
    %gt3A_451 = arith.constant 0 : i32
    %gt3A_452 = vector.broadcast %gt3A_451 : i32 to vector<8x1xi32>
    %gt3A_453 = arith.cmpi sgt, %iota3A_430, %gt3A_452 : vector<8x1xi32>
    %and3A_454 = vector.broadcast %gt3A_453 : vector<8x1xi1> to vector<8x512xi1>
    %and3A_455 = arith.andi %eq3A_450, %and3A_454 : vector<8x512xi1>
    %or3A_456 = arith.ori %gt3A_448, %and3A_455 : vector<8x512xi1>
    %convert_element_type3A_457 = arith.extui %or3A_456 : vector<8x512xi1> to vector<8x512xi32>
    %add3A_458 = arith.addi %broadcast_in_dim3A_445, %convert_element_type3A_457 : vector<8x512xi32>
    %slice3A_459 = vector.extract_strided_slice %slice3A_443 {offsets = [1, 0], sizes = [1, 512], strides = [1, 1]} : vector<8x512xf32> to vector<1x512xf32>
    %gt3A_460 = vector.broadcast %slice3A_459 : vector<1x512xf32> to vector<8x512xf32>
    %gt3A_461 = arith.cmpf ogt, %gt3A_460, %slice3A_443 : vector<8x512xf32>
    %eq3A_462 = vector.broadcast %slice3A_459 : vector<1x512xf32> to vector<8x512xf32>
    %eq3A_463 = arith.cmpf oeq, %eq3A_462, %slice3A_443 : vector<8x512xf32>
    %gt3A_464 = arith.constant 1 : i32
    %gt3A_465 = vector.broadcast %gt3A_464 : i32 to vector<8x1xi32>
    %gt3A_466 = arith.cmpi sgt, %iota3A_430, %gt3A_465 : vector<8x1xi32>
    %and3A_467 = vector.broadcast %gt3A_466 : vector<8x1xi1> to vector<8x512xi1>
    %and3A_468 = arith.andi %eq3A_463, %and3A_467 : vector<8x512xi1>
    %or3A_469 = arith.ori %gt3A_461, %and3A_468 : vector<8x512xi1>
    %convert_element_type3A_470 = arith.extui %or3A_469 : vector<8x512xi1> to vector<8x512xi32>
    %add3A_471 = arith.addi %add3A_458, %convert_element_type3A_470 : vector<8x512xi32>
    %slice3A_472 = vector.extract_strided_slice %slice3A_443 {offsets = [2, 0], sizes = [1, 512], strides = [1, 1]} : vector<8x512xf32> to vector<1x512xf32>
    %gt3A_473 = vector.broadcast %slice3A_472 : vector<1x512xf32> to vector<8x512xf32>
    %gt3A_474 = arith.cmpf ogt, %gt3A_473, %slice3A_443 : vector<8x512xf32>
    %eq3A_475 = vector.broadcast %slice3A_472 : vector<1x512xf32> to vector<8x512xf32>
    %eq3A_476 = arith.cmpf oeq, %eq3A_475, %slice3A_443 : vector<8x512xf32>
    %gt3A_477 = arith.constant 2 : i32
    %gt3A_478 = vector.broadcast %gt3A_477 : i32 to vector<8x1xi32>
    %gt3A_479 = arith.cmpi sgt, %iota3A_430, %gt3A_478 : vector<8x1xi32>
    %and3A_480 = vector.broadcast %gt3A_479 : vector<8x1xi1> to vector<8x512xi1>
    %and3A_481 = arith.andi %eq3A_476, %and3A_480 : vector<8x512xi1>
    %or3A_482 = arith.ori %gt3A_474, %and3A_481 : vector<8x512xi1>
    %convert_element_type3A_483 = arith.extui %or3A_482 : vector<8x512xi1> to vector<8x512xi32>
    %add3A_484 = arith.addi %add3A_471, %convert_element_type3A_483 : vector<8x512xi32>
    %slice3A_485 = vector.extract_strided_slice %slice3A_443 {offsets = [3, 0], sizes = [1, 512], strides = [1, 1]} : vector<8x512xf32> to vector<1x512xf32>
    %gt3A_486 = vector.broadcast %slice3A_485 : vector<1x512xf32> to vector<8x512xf32>
    %gt3A_487 = arith.cmpf ogt, %gt3A_486, %slice3A_443 : vector<8x512xf32>
    %eq3A_488 = vector.broadcast %slice3A_485 : vector<1x512xf32> to vector<8x512xf32>
    %eq3A_489 = arith.cmpf oeq, %eq3A_488, %slice3A_443 : vector<8x512xf32>
    %gt3A_490 = arith.constant 3 : i32
    %gt3A_491 = vector.broadcast %gt3A_490 : i32 to vector<8x1xi32>
    %gt3A_492 = arith.cmpi sgt, %iota3A_430, %gt3A_491 : vector<8x1xi32>
    %and3A_493 = vector.broadcast %gt3A_492 : vector<8x1xi1> to vector<8x512xi1>
    %and3A_494 = arith.andi %eq3A_489, %and3A_493 : vector<8x512xi1>
    %or3A_495 = arith.ori %gt3A_487, %and3A_494 : vector<8x512xi1>
    %convert_element_type3A_496 = arith.extui %or3A_495 : vector<8x512xi1> to vector<8x512xi32>
    %add3A_497 = arith.addi %add3A_484, %convert_element_type3A_496 : vector<8x512xi32>
    %slice3A_498 = vector.extract_strided_slice %slice3A_443 {offsets = [4, 0], sizes = [1, 512], strides = [1, 1]} : vector<8x512xf32> to vector<1x512xf32>
    %gt3A_499 = vector.broadcast %slice3A_498 : vector<1x512xf32> to vector<8x512xf32>
    %gt3A_500 = arith.cmpf ogt, %gt3A_499, %slice3A_443 : vector<8x512xf32>
    %eq3A_501 = vector.broadcast %slice3A_498 : vector<1x512xf32> to vector<8x512xf32>
    %eq3A_502 = arith.cmpf oeq, %eq3A_501, %slice3A_443 : vector<8x512xf32>
    %gt3A_503 = arith.constant 4 : i32
    %gt3A_504 = vector.broadcast %gt3A_503 : i32 to vector<8x1xi32>
    %gt3A_505 = arith.cmpi sgt, %iota3A_430, %gt3A_504 : vector<8x1xi32>
    %and3A_506 = vector.broadcast %gt3A_505 : vector<8x1xi1> to vector<8x512xi1>
    %and3A_507 = arith.andi %eq3A_502, %and3A_506 : vector<8x512xi1>
    %or3A_508 = arith.ori %gt3A_500, %and3A_507 : vector<8x512xi1>
    %convert_element_type3A_509 = arith.extui %or3A_508 : vector<8x512xi1> to vector<8x512xi32>
    %add3A_510 = arith.addi %add3A_497, %convert_element_type3A_509 : vector<8x512xi32>
    %slice3A_511 = vector.extract_strided_slice %slice3A_443 {offsets = [5, 0], sizes = [1, 512], strides = [1, 1]} : vector<8x512xf32> to vector<1x512xf32>
    %gt3A_512 = vector.broadcast %slice3A_511 : vector<1x512xf32> to vector<8x512xf32>
    %gt3A_513 = arith.cmpf ogt, %gt3A_512, %slice3A_443 : vector<8x512xf32>
    %eq3A_514 = vector.broadcast %slice3A_511 : vector<1x512xf32> to vector<8x512xf32>
    %eq3A_515 = arith.cmpf oeq, %eq3A_514, %slice3A_443 : vector<8x512xf32>
    %gt3A_516 = arith.constant 5 : i32
    %gt3A_517 = vector.broadcast %gt3A_516 : i32 to vector<8x1xi32>
    %gt3A_518 = arith.cmpi sgt, %iota3A_430, %gt3A_517 : vector<8x1xi32>
    %and3A_519 = vector.broadcast %gt3A_518 : vector<8x1xi1> to vector<8x512xi1>
    %and3A_520 = arith.andi %eq3A_515, %and3A_519 : vector<8x512xi1>
    %or3A_521 = arith.ori %gt3A_513, %and3A_520 : vector<8x512xi1>
    %convert_element_type3A_522 = arith.extui %or3A_521 : vector<8x512xi1> to vector<8x512xi32>
    %add3A_523 = arith.addi %add3A_510, %convert_element_type3A_522 : vector<8x512xi32>
    %slice3A_524 = vector.extract_strided_slice %slice3A_443 {offsets = [6, 0], sizes = [1, 512], strides = [1, 1]} : vector<8x512xf32> to vector<1x512xf32>
    %gt3A_525 = vector.broadcast %slice3A_524 : vector<1x512xf32> to vector<8x512xf32>
    %gt3A_526 = arith.cmpf ogt, %gt3A_525, %slice3A_443 : vector<8x512xf32>
    %eq3A_527 = vector.broadcast %slice3A_524 : vector<1x512xf32> to vector<8x512xf32>
    %eq3A_528 = arith.cmpf oeq, %eq3A_527, %slice3A_443 : vector<8x512xf32>
    %gt3A_529 = arith.constant 6 : i32
    %gt3A_530 = vector.broadcast %gt3A_529 : i32 to vector<8x1xi32>
    %gt3A_531 = arith.cmpi sgt, %iota3A_430, %gt3A_530 : vector<8x1xi32>
    %and3A_532 = vector.broadcast %gt3A_531 : vector<8x1xi1> to vector<8x512xi1>
    %and3A_533 = arith.andi %eq3A_528, %and3A_532 : vector<8x512xi1>
    %or3A_534 = arith.ori %gt3A_526, %and3A_533 : vector<8x512xi1>
    %convert_element_type3A_535 = arith.extui %or3A_534 : vector<8x512xi1> to vector<8x512xi32>
    %add3A_536 = arith.addi %add3A_523, %convert_element_type3A_535 : vector<8x512xi32>
    %slice3A_537 = vector.extract_strided_slice %slice3A_443 {offsets = [7, 0], sizes = [1, 512], strides = [1, 1]} : vector<8x512xf32> to vector<1x512xf32>
    %gt3A_538 = vector.broadcast %slice3A_537 : vector<1x512xf32> to vector<8x512xf32>
    %gt3A_539 = arith.cmpf ogt, %gt3A_538, %slice3A_443 : vector<8x512xf32>
    %eq3A_540 = vector.broadcast %slice3A_537 : vector<1x512xf32> to vector<8x512xf32>
    %eq3A_541 = arith.cmpf oeq, %eq3A_540, %slice3A_443 : vector<8x512xf32>
    %gt3A_542 = arith.constant 7 : i32
    %gt3A_543 = vector.broadcast %gt3A_542 : i32 to vector<8x1xi32>
    %gt3A_544 = arith.cmpi sgt, %iota3A_430, %gt3A_543 : vector<8x1xi32>
    %and3A_545 = vector.broadcast %gt3A_544 : vector<8x1xi1> to vector<8x512xi1>
    %and3A_546 = arith.andi %eq3A_541, %and3A_545 : vector<8x512xi1>
    %or3A_547 = arith.ori %gt3A_539, %and3A_546 : vector<8x512xi1>
    %convert_element_type3A_548 = arith.extui %or3A_547 : vector<8x512xi1> to vector<8x512xi32>
    %add3A_549 = arith.addi %add3A_536, %convert_element_type3A_548 : vector<8x512xi32>
    %slice3A_550 = vector.extract_strided_slice %add3A_389 {offsets = [0, 0], sizes = [1, 512], strides = [1, 1]} : vector<4x512xi32> to vector<1x512xi32>
    %broadcast_in_dim3A_551 = vector.shape_cast %slice3A_550 : vector<1x512xi32> to vector<1x512xi32>
    %broadcast_in_dim3A_552 = vector.broadcast %broadcast_in_dim3A_551 : vector<1x512xi32> to vector<8x512xi32>
    %slice3A_553 = vector.extract_strided_slice %add3A_429 {offsets = [0, 0], sizes = [1, 512], strides = [1, 1]} : vector<4x512xi32> to vector<1x512xi32>
    %broadcast_in_dim3A_554 = vector.shape_cast %slice3A_553 : vector<1x512xi32> to vector<1x512xi32>
    %broadcast_in_dim3A_555 = vector.broadcast %broadcast_in_dim3A_554 : vector<1x512xi32> to vector<8x512xi32>
    %lt3A_556 = arith.cmpi slt, %add3A_549, %broadcast_in_dim3A_552 : vector<8x512xi32>
    %add3A_557 = arith.addi %broadcast_in_dim3A_555, %add3A_549 : vector<8x512xi32>
    %add3A_558 = arith.constant 0 : i32
    %add3A_559 = vector.broadcast %add3A_558 : i32 to vector<8x1xi32>
    %add3A_560 = arith.addi %iota3A_430, %add3A_559 : vector<8x1xi32>
    %eq3A_561 = arith.constant 0 : i32
    %eq3A_562 = vector.broadcast %eq3A_561 : i32 to vector<8x512xi32>
    %eq3A_563 = arith.cmpi eq, %add3A_557, %eq3A_562 : vector<8x512xi32>
    %and3A_564 = arith.andi %lt3A_556, %eq3A_563 : vector<8x512xi1>
    %jit3A_565 = arith.constant 0 : i32
    %broadcast_in_dim3A_566 = vector.shape_cast %add3A_560 : vector<8x1xi32> to vector<8x1xi32>
    %broadcast_in_dim3A_567 = vector.broadcast %broadcast_in_dim3A_566 : vector<8x1xi32> to vector<8x512xi32>
    %broadcast_in_dim3A_568 = vector.broadcast %jit3A_565 : i32 to vector<8x512xi32>
    %select_n3A_569 = arith.select %and3A_564, %broadcast_in_dim3A_567, %broadcast_in_dim3A_568 : vector<8x512xi1>, vector<8x512xi32>
    %reduce_sum3A_570 = arith.constant dense<0> : vector<512xi32>
    %reduce_sum3A_571 = vector.multi_reduction <add>, %select_n3A_569, %reduce_sum3A_570 [0] : vector<8x512xi32> to vector<512xi32>
    %broadcast_in_dim3A_572 = vector.shape_cast %reduce_sum3A_571 : vector<512xi32> to vector<1x512xi32>
    %add3A_573 = arith.addi %broadcast_in_dim3A_432, %broadcast_in_dim3A_572 : vector<1x512xi32>
    %eq3A_574 = arith.constant 1 : i32
    %eq3A_575 = vector.broadcast %eq3A_574 : i32 to vector<8x512xi32>
    %eq3A_576 = arith.cmpi eq, %add3A_557, %eq3A_575 : vector<8x512xi32>
    %and3A_577 = arith.andi %lt3A_556, %eq3A_576 : vector<8x512xi1>
    %jit3A_578 = arith.constant 0 : i32
    %broadcast_in_dim3A_579 = vector.shape_cast %add3A_560 : vector<8x1xi32> to vector<8x1xi32>
    %broadcast_in_dim3A_580 = vector.broadcast %broadcast_in_dim3A_579 : vector<8x1xi32> to vector<8x512xi32>
    %broadcast_in_dim3A_581 = vector.broadcast %jit3A_578 : i32 to vector<8x512xi32>
    %select_n3A_582 = arith.select %and3A_577, %broadcast_in_dim3A_580, %broadcast_in_dim3A_581 : vector<8x512xi1>, vector<8x512xi32>
    %reduce_sum3A_583 = arith.constant dense<0> : vector<512xi32>
    %reduce_sum3A_584 = vector.multi_reduction <add>, %select_n3A_582, %reduce_sum3A_583 [0] : vector<8x512xi32> to vector<512xi32>
    %broadcast_in_dim3A_585 = vector.shape_cast %reduce_sum3A_584 : vector<512xi32> to vector<1x512xi32>
    %add3A_586 = arith.addi %broadcast_in_dim3A_434, %broadcast_in_dim3A_585 : vector<1x512xi32>
    %eq3A_587 = arith.constant 2 : i32
    %eq3A_588 = vector.broadcast %eq3A_587 : i32 to vector<8x512xi32>
    %eq3A_589 = arith.cmpi eq, %add3A_557, %eq3A_588 : vector<8x512xi32>
    %and3A_590 = arith.andi %lt3A_556, %eq3A_589 : vector<8x512xi1>
    %jit3A_591 = arith.constant 0 : i32
    %broadcast_in_dim3A_592 = vector.shape_cast %add3A_560 : vector<8x1xi32> to vector<8x1xi32>
    %broadcast_in_dim3A_593 = vector.broadcast %broadcast_in_dim3A_592 : vector<8x1xi32> to vector<8x512xi32>
    %broadcast_in_dim3A_594 = vector.broadcast %jit3A_591 : i32 to vector<8x512xi32>
    %select_n3A_595 = arith.select %and3A_590, %broadcast_in_dim3A_593, %broadcast_in_dim3A_594 : vector<8x512xi1>, vector<8x512xi32>
    %reduce_sum3A_596 = arith.constant dense<0> : vector<512xi32>
    %reduce_sum3A_597 = vector.multi_reduction <add>, %select_n3A_595, %reduce_sum3A_596 [0] : vector<8x512xi32> to vector<512xi32>
    %broadcast_in_dim3A_598 = vector.shape_cast %reduce_sum3A_597 : vector<512xi32> to vector<1x512xi32>
    %add3A_599 = arith.addi %broadcast_in_dim3A_436, %broadcast_in_dim3A_598 : vector<1x512xi32>
    %eq3A_600 = arith.constant 3 : i32
    %eq3A_601 = vector.broadcast %eq3A_600 : i32 to vector<8x512xi32>
    %eq3A_602 = arith.cmpi eq, %add3A_557, %eq3A_601 : vector<8x512xi32>
    %and3A_603 = arith.andi %lt3A_556, %eq3A_602 : vector<8x512xi1>
    %jit3A_604 = arith.constant 0 : i32
    %broadcast_in_dim3A_605 = vector.shape_cast %add3A_560 : vector<8x1xi32> to vector<8x1xi32>
    %broadcast_in_dim3A_606 = vector.broadcast %broadcast_in_dim3A_605 : vector<8x1xi32> to vector<8x512xi32>
    %broadcast_in_dim3A_607 = vector.broadcast %jit3A_604 : i32 to vector<8x512xi32>
    %select_n3A_608 = arith.select %and3A_603, %broadcast_in_dim3A_606, %broadcast_in_dim3A_607 : vector<8x512xi1>, vector<8x512xi32>
    %reduce_sum3A_609 = arith.constant dense<0> : vector<512xi32>
    %reduce_sum3A_610 = vector.multi_reduction <add>, %select_n3A_608, %reduce_sum3A_609 [0] : vector<8x512xi32> to vector<512xi32>
    %broadcast_in_dim3A_611 = vector.shape_cast %reduce_sum3A_610 : vector<512xi32> to vector<1x512xi32>
    %add3A_612 = arith.addi %broadcast_in_dim3A_438, %broadcast_in_dim3A_611 : vector<1x512xi32>
    %eq3A_613 = arith.constant 4 : i32
    %eq3A_614 = vector.broadcast %eq3A_613 : i32 to vector<8x512xi32>
    %eq3A_615 = arith.cmpi eq, %add3A_557, %eq3A_614 : vector<8x512xi32>
    %and3A_616 = arith.andi %lt3A_556, %eq3A_615 : vector<8x512xi1>
    %jit3A_617 = arith.constant 0 : i32
    %broadcast_in_dim3A_618 = vector.shape_cast %add3A_560 : vector<8x1xi32> to vector<8x1xi32>
    %broadcast_in_dim3A_619 = vector.broadcast %broadcast_in_dim3A_618 : vector<8x1xi32> to vector<8x512xi32>
    %broadcast_in_dim3A_620 = vector.broadcast %jit3A_617 : i32 to vector<8x512xi32>
    %select_n3A_621 = arith.select %and3A_616, %broadcast_in_dim3A_619, %broadcast_in_dim3A_620 : vector<8x512xi1>, vector<8x512xi32>
    %reduce_sum3A_622 = arith.constant dense<0> : vector<512xi32>
    %reduce_sum3A_623 = vector.multi_reduction <add>, %select_n3A_621, %reduce_sum3A_622 [0] : vector<8x512xi32> to vector<512xi32>
    %broadcast_in_dim3A_624 = vector.shape_cast %reduce_sum3A_623 : vector<512xi32> to vector<1x512xi32>
    %add3A_625 = arith.addi %broadcast_in_dim3A_440, %broadcast_in_dim3A_624 : vector<1x512xi32>
    %eq3A_626 = arith.constant 5 : i32
    %eq3A_627 = vector.broadcast %eq3A_626 : i32 to vector<8x512xi32>
    %eq3A_628 = arith.cmpi eq, %add3A_557, %eq3A_627 : vector<8x512xi32>
    %and3A_629 = arith.andi %lt3A_556, %eq3A_628 : vector<8x512xi1>
    %jit3A_630 = arith.constant 0 : i32
    %broadcast_in_dim3A_631 = vector.shape_cast %add3A_560 : vector<8x1xi32> to vector<8x1xi32>
    %broadcast_in_dim3A_632 = vector.broadcast %broadcast_in_dim3A_631 : vector<8x1xi32> to vector<8x512xi32>
    %broadcast_in_dim3A_633 = vector.broadcast %jit3A_630 : i32 to vector<8x512xi32>
    %select_n3A_634 = arith.select %and3A_629, %broadcast_in_dim3A_632, %broadcast_in_dim3A_633 : vector<8x512xi1>, vector<8x512xi32>
    %reduce_sum3A_635 = arith.constant dense<0> : vector<512xi32>
    %reduce_sum3A_636 = vector.multi_reduction <add>, %select_n3A_634, %reduce_sum3A_635 [0] : vector<8x512xi32> to vector<512xi32>
    %broadcast_in_dim3A_637 = vector.shape_cast %reduce_sum3A_636 : vector<512xi32> to vector<1x512xi32>
    %add3A_638 = arith.addi %broadcast_in_dim3A_442, %broadcast_in_dim3A_637 : vector<1x512xi32>
    %slice3A_639 = vector.extract_strided_slice %add3A_168 {offsets = [8, 0], sizes = [8, 512], strides = [1, 1]} : vector<32x512xf32> to vector<8x512xf32>
    %broadcast_in_dim3A_640 = arith.constant 0 : i32
    %broadcast_in_dim3A_641 = vector.broadcast %broadcast_in_dim3A_640 : i32 to vector<8x512xi32>
    %slice3A_642 = vector.extract_strided_slice %slice3A_639 {offsets = [0, 0], sizes = [1, 512], strides = [1, 1]} : vector<8x512xf32> to vector<1x512xf32>
    %gt3A_643 = vector.broadcast %slice3A_642 : vector<1x512xf32> to vector<8x512xf32>
    %gt3A_644 = arith.cmpf ogt, %gt3A_643, %slice3A_639 : vector<8x512xf32>
    %eq3A_645 = vector.broadcast %slice3A_642 : vector<1x512xf32> to vector<8x512xf32>
    %eq3A_646 = arith.cmpf oeq, %eq3A_645, %slice3A_639 : vector<8x512xf32>
    %gt3A_647 = arith.constant 0 : i32
    %gt3A_648 = vector.broadcast %gt3A_647 : i32 to vector<8x1xi32>
    %gt3A_649 = arith.cmpi sgt, %iota3A_430, %gt3A_648 : vector<8x1xi32>
    %and3A_650 = vector.broadcast %gt3A_649 : vector<8x1xi1> to vector<8x512xi1>
    %and3A_651 = arith.andi %eq3A_646, %and3A_650 : vector<8x512xi1>
    %or3A_652 = arith.ori %gt3A_644, %and3A_651 : vector<8x512xi1>
    %convert_element_type3A_653 = arith.extui %or3A_652 : vector<8x512xi1> to vector<8x512xi32>
    %add3A_654 = arith.addi %broadcast_in_dim3A_641, %convert_element_type3A_653 : vector<8x512xi32>
    %slice3A_655 = vector.extract_strided_slice %slice3A_639 {offsets = [1, 0], sizes = [1, 512], strides = [1, 1]} : vector<8x512xf32> to vector<1x512xf32>
    %gt3A_656 = vector.broadcast %slice3A_655 : vector<1x512xf32> to vector<8x512xf32>
    %gt3A_657 = arith.cmpf ogt, %gt3A_656, %slice3A_639 : vector<8x512xf32>
    %eq3A_658 = vector.broadcast %slice3A_655 : vector<1x512xf32> to vector<8x512xf32>
    %eq3A_659 = arith.cmpf oeq, %eq3A_658, %slice3A_639 : vector<8x512xf32>
    %gt3A_660 = arith.constant 1 : i32
    %gt3A_661 = vector.broadcast %gt3A_660 : i32 to vector<8x1xi32>
    %gt3A_662 = arith.cmpi sgt, %iota3A_430, %gt3A_661 : vector<8x1xi32>
    %and3A_663 = vector.broadcast %gt3A_662 : vector<8x1xi1> to vector<8x512xi1>
    %and3A_664 = arith.andi %eq3A_659, %and3A_663 : vector<8x512xi1>
    %or3A_665 = arith.ori %gt3A_657, %and3A_664 : vector<8x512xi1>
    %convert_element_type3A_666 = arith.extui %or3A_665 : vector<8x512xi1> to vector<8x512xi32>
    %add3A_667 = arith.addi %add3A_654, %convert_element_type3A_666 : vector<8x512xi32>
    %slice3A_668 = vector.extract_strided_slice %slice3A_639 {offsets = [2, 0], sizes = [1, 512], strides = [1, 1]} : vector<8x512xf32> to vector<1x512xf32>
    %gt3A_669 = vector.broadcast %slice3A_668 : vector<1x512xf32> to vector<8x512xf32>
    %gt3A_670 = arith.cmpf ogt, %gt3A_669, %slice3A_639 : vector<8x512xf32>
    %eq3A_671 = vector.broadcast %slice3A_668 : vector<1x512xf32> to vector<8x512xf32>
    %eq3A_672 = arith.cmpf oeq, %eq3A_671, %slice3A_639 : vector<8x512xf32>
    %gt3A_673 = arith.constant 2 : i32
    %gt3A_674 = vector.broadcast %gt3A_673 : i32 to vector<8x1xi32>
    %gt3A_675 = arith.cmpi sgt, %iota3A_430, %gt3A_674 : vector<8x1xi32>
    %and3A_676 = vector.broadcast %gt3A_675 : vector<8x1xi1> to vector<8x512xi1>
    %and3A_677 = arith.andi %eq3A_672, %and3A_676 : vector<8x512xi1>
    %or3A_678 = arith.ori %gt3A_670, %and3A_677 : vector<8x512xi1>
    %convert_element_type3A_679 = arith.extui %or3A_678 : vector<8x512xi1> to vector<8x512xi32>
    %add3A_680 = arith.addi %add3A_667, %convert_element_type3A_679 : vector<8x512xi32>
    %slice3A_681 = vector.extract_strided_slice %slice3A_639 {offsets = [3, 0], sizes = [1, 512], strides = [1, 1]} : vector<8x512xf32> to vector<1x512xf32>
    %gt3A_682 = vector.broadcast %slice3A_681 : vector<1x512xf32> to vector<8x512xf32>
    %gt3A_683 = arith.cmpf ogt, %gt3A_682, %slice3A_639 : vector<8x512xf32>
    %eq3A_684 = vector.broadcast %slice3A_681 : vector<1x512xf32> to vector<8x512xf32>
    %eq3A_685 = arith.cmpf oeq, %eq3A_684, %slice3A_639 : vector<8x512xf32>
    %gt3A_686 = arith.constant 3 : i32
    %gt3A_687 = vector.broadcast %gt3A_686 : i32 to vector<8x1xi32>
    %gt3A_688 = arith.cmpi sgt, %iota3A_430, %gt3A_687 : vector<8x1xi32>
    %and3A_689 = vector.broadcast %gt3A_688 : vector<8x1xi1> to vector<8x512xi1>
    %and3A_690 = arith.andi %eq3A_685, %and3A_689 : vector<8x512xi1>
    %or3A_691 = arith.ori %gt3A_683, %and3A_690 : vector<8x512xi1>
    %convert_element_type3A_692 = arith.extui %or3A_691 : vector<8x512xi1> to vector<8x512xi32>
    %add3A_693 = arith.addi %add3A_680, %convert_element_type3A_692 : vector<8x512xi32>
    %slice3A_694 = vector.extract_strided_slice %slice3A_639 {offsets = [4, 0], sizes = [1, 512], strides = [1, 1]} : vector<8x512xf32> to vector<1x512xf32>
    %gt3A_695 = vector.broadcast %slice3A_694 : vector<1x512xf32> to vector<8x512xf32>
    %gt3A_696 = arith.cmpf ogt, %gt3A_695, %slice3A_639 : vector<8x512xf32>
    %eq3A_697 = vector.broadcast %slice3A_694 : vector<1x512xf32> to vector<8x512xf32>
    %eq3A_698 = arith.cmpf oeq, %eq3A_697, %slice3A_639 : vector<8x512xf32>
    %gt3A_699 = arith.constant 4 : i32
    %gt3A_700 = vector.broadcast %gt3A_699 : i32 to vector<8x1xi32>
    %gt3A_701 = arith.cmpi sgt, %iota3A_430, %gt3A_700 : vector<8x1xi32>
    %and3A_702 = vector.broadcast %gt3A_701 : vector<8x1xi1> to vector<8x512xi1>
    %and3A_703 = arith.andi %eq3A_698, %and3A_702 : vector<8x512xi1>
    %or3A_704 = arith.ori %gt3A_696, %and3A_703 : vector<8x512xi1>
    %convert_element_type3A_705 = arith.extui %or3A_704 : vector<8x512xi1> to vector<8x512xi32>
    %add3A_706 = arith.addi %add3A_693, %convert_element_type3A_705 : vector<8x512xi32>
    %slice3A_707 = vector.extract_strided_slice %slice3A_639 {offsets = [5, 0], sizes = [1, 512], strides = [1, 1]} : vector<8x512xf32> to vector<1x512xf32>
    %gt3A_708 = vector.broadcast %slice3A_707 : vector<1x512xf32> to vector<8x512xf32>
    %gt3A_709 = arith.cmpf ogt, %gt3A_708, %slice3A_639 : vector<8x512xf32>
    %eq3A_710 = vector.broadcast %slice3A_707 : vector<1x512xf32> to vector<8x512xf32>
    %eq3A_711 = arith.cmpf oeq, %eq3A_710, %slice3A_639 : vector<8x512xf32>
    %gt3A_712 = arith.constant 5 : i32
    %gt3A_713 = vector.broadcast %gt3A_712 : i32 to vector<8x1xi32>
    %gt3A_714 = arith.cmpi sgt, %iota3A_430, %gt3A_713 : vector<8x1xi32>
    %and3A_715 = vector.broadcast %gt3A_714 : vector<8x1xi1> to vector<8x512xi1>
    %and3A_716 = arith.andi %eq3A_711, %and3A_715 : vector<8x512xi1>
    %or3A_717 = arith.ori %gt3A_709, %and3A_716 : vector<8x512xi1>
    %convert_element_type3A_718 = arith.extui %or3A_717 : vector<8x512xi1> to vector<8x512xi32>
    %add3A_719 = arith.addi %add3A_706, %convert_element_type3A_718 : vector<8x512xi32>
    %slice3A_720 = vector.extract_strided_slice %slice3A_639 {offsets = [6, 0], sizes = [1, 512], strides = [1, 1]} : vector<8x512xf32> to vector<1x512xf32>
    %gt3A_721 = vector.broadcast %slice3A_720 : vector<1x512xf32> to vector<8x512xf32>
    %gt3A_722 = arith.cmpf ogt, %gt3A_721, %slice3A_639 : vector<8x512xf32>
    %eq3A_723 = vector.broadcast %slice3A_720 : vector<1x512xf32> to vector<8x512xf32>
    %eq3A_724 = arith.cmpf oeq, %eq3A_723, %slice3A_639 : vector<8x512xf32>
    %gt3A_725 = arith.constant 6 : i32
    %gt3A_726 = vector.broadcast %gt3A_725 : i32 to vector<8x1xi32>
    %gt3A_727 = arith.cmpi sgt, %iota3A_430, %gt3A_726 : vector<8x1xi32>
    %and3A_728 = vector.broadcast %gt3A_727 : vector<8x1xi1> to vector<8x512xi1>
    %and3A_729 = arith.andi %eq3A_724, %and3A_728 : vector<8x512xi1>
    %or3A_730 = arith.ori %gt3A_722, %and3A_729 : vector<8x512xi1>
    %convert_element_type3A_731 = arith.extui %or3A_730 : vector<8x512xi1> to vector<8x512xi32>
    %add3A_732 = arith.addi %add3A_719, %convert_element_type3A_731 : vector<8x512xi32>
    %slice3A_733 = vector.extract_strided_slice %slice3A_639 {offsets = [7, 0], sizes = [1, 512], strides = [1, 1]} : vector<8x512xf32> to vector<1x512xf32>
    %gt3A_734 = vector.broadcast %slice3A_733 : vector<1x512xf32> to vector<8x512xf32>
    %gt3A_735 = arith.cmpf ogt, %gt3A_734, %slice3A_639 : vector<8x512xf32>
    %eq3A_736 = vector.broadcast %slice3A_733 : vector<1x512xf32> to vector<8x512xf32>
    %eq3A_737 = arith.cmpf oeq, %eq3A_736, %slice3A_639 : vector<8x512xf32>
    %gt3A_738 = arith.constant 7 : i32
    %gt3A_739 = vector.broadcast %gt3A_738 : i32 to vector<8x1xi32>
    %gt3A_740 = arith.cmpi sgt, %iota3A_430, %gt3A_739 : vector<8x1xi32>
    %and3A_741 = vector.broadcast %gt3A_740 : vector<8x1xi1> to vector<8x512xi1>
    %and3A_742 = arith.andi %eq3A_737, %and3A_741 : vector<8x512xi1>
    %or3A_743 = arith.ori %gt3A_735, %and3A_742 : vector<8x512xi1>
    %convert_element_type3A_744 = arith.extui %or3A_743 : vector<8x512xi1> to vector<8x512xi32>
    %add3A_745 = arith.addi %add3A_732, %convert_element_type3A_744 : vector<8x512xi32>
    %slice3A_746 = vector.extract_strided_slice %add3A_389 {offsets = [1, 0], sizes = [1, 512], strides = [1, 1]} : vector<4x512xi32> to vector<1x512xi32>
    %broadcast_in_dim3A_747 = vector.shape_cast %slice3A_746 : vector<1x512xi32> to vector<1x512xi32>
    %broadcast_in_dim3A_748 = vector.broadcast %broadcast_in_dim3A_747 : vector<1x512xi32> to vector<8x512xi32>
    %slice3A_749 = vector.extract_strided_slice %add3A_429 {offsets = [1, 0], sizes = [1, 512], strides = [1, 1]} : vector<4x512xi32> to vector<1x512xi32>
    %broadcast_in_dim3A_750 = vector.shape_cast %slice3A_749 : vector<1x512xi32> to vector<1x512xi32>
    %broadcast_in_dim3A_751 = vector.broadcast %broadcast_in_dim3A_750 : vector<1x512xi32> to vector<8x512xi32>
    %lt3A_752 = arith.cmpi slt, %add3A_745, %broadcast_in_dim3A_748 : vector<8x512xi32>
    %add3A_753 = arith.addi %broadcast_in_dim3A_751, %add3A_745 : vector<8x512xi32>
    %add3A_754 = arith.constant 8 : i32
    %add3A_755 = vector.broadcast %add3A_754 : i32 to vector<8x1xi32>
    %add3A_756 = arith.addi %iota3A_430, %add3A_755 : vector<8x1xi32>
    %eq3A_757 = arith.constant 0 : i32
    %eq3A_758 = vector.broadcast %eq3A_757 : i32 to vector<8x512xi32>
    %eq3A_759 = arith.cmpi eq, %add3A_753, %eq3A_758 : vector<8x512xi32>
    %and3A_760 = arith.andi %lt3A_752, %eq3A_759 : vector<8x512xi1>
    %jit3A_761 = arith.constant 0 : i32
    %broadcast_in_dim3A_762 = vector.shape_cast %add3A_756 : vector<8x1xi32> to vector<8x1xi32>
    %broadcast_in_dim3A_763 = vector.broadcast %broadcast_in_dim3A_762 : vector<8x1xi32> to vector<8x512xi32>
    %broadcast_in_dim3A_764 = vector.broadcast %jit3A_761 : i32 to vector<8x512xi32>
    %select_n3A_765 = arith.select %and3A_760, %broadcast_in_dim3A_763, %broadcast_in_dim3A_764 : vector<8x512xi1>, vector<8x512xi32>
    %reduce_sum3A_766 = arith.constant dense<0> : vector<512xi32>
    %reduce_sum3A_767 = vector.multi_reduction <add>, %select_n3A_765, %reduce_sum3A_766 [0] : vector<8x512xi32> to vector<512xi32>
    %broadcast_in_dim3A_768 = vector.shape_cast %reduce_sum3A_767 : vector<512xi32> to vector<1x512xi32>
    %add3A_769 = arith.addi %add3A_573, %broadcast_in_dim3A_768 : vector<1x512xi32>
    %eq3A_770 = arith.constant 1 : i32
    %eq3A_771 = vector.broadcast %eq3A_770 : i32 to vector<8x512xi32>
    %eq3A_772 = arith.cmpi eq, %add3A_753, %eq3A_771 : vector<8x512xi32>
    %and3A_773 = arith.andi %lt3A_752, %eq3A_772 : vector<8x512xi1>
    %jit3A_774 = arith.constant 0 : i32
    %broadcast_in_dim3A_775 = vector.shape_cast %add3A_756 : vector<8x1xi32> to vector<8x1xi32>
    %broadcast_in_dim3A_776 = vector.broadcast %broadcast_in_dim3A_775 : vector<8x1xi32> to vector<8x512xi32>
    %broadcast_in_dim3A_777 = vector.broadcast %jit3A_774 : i32 to vector<8x512xi32>
    %select_n3A_778 = arith.select %and3A_773, %broadcast_in_dim3A_776, %broadcast_in_dim3A_777 : vector<8x512xi1>, vector<8x512xi32>
    %reduce_sum3A_779 = arith.constant dense<0> : vector<512xi32>
    %reduce_sum3A_780 = vector.multi_reduction <add>, %select_n3A_778, %reduce_sum3A_779 [0] : vector<8x512xi32> to vector<512xi32>
    %broadcast_in_dim3A_781 = vector.shape_cast %reduce_sum3A_780 : vector<512xi32> to vector<1x512xi32>
    %add3A_782 = arith.addi %add3A_586, %broadcast_in_dim3A_781 : vector<1x512xi32>
    %eq3A_783 = arith.constant 2 : i32
    %eq3A_784 = vector.broadcast %eq3A_783 : i32 to vector<8x512xi32>
    %eq3A_785 = arith.cmpi eq, %add3A_753, %eq3A_784 : vector<8x512xi32>
    %and3A_786 = arith.andi %lt3A_752, %eq3A_785 : vector<8x512xi1>
    %jit3A_787 = arith.constant 0 : i32
    %broadcast_in_dim3A_788 = vector.shape_cast %add3A_756 : vector<8x1xi32> to vector<8x1xi32>
    %broadcast_in_dim3A_789 = vector.broadcast %broadcast_in_dim3A_788 : vector<8x1xi32> to vector<8x512xi32>
    %broadcast_in_dim3A_790 = vector.broadcast %jit3A_787 : i32 to vector<8x512xi32>
    %select_n3A_791 = arith.select %and3A_786, %broadcast_in_dim3A_789, %broadcast_in_dim3A_790 : vector<8x512xi1>, vector<8x512xi32>
    %reduce_sum3A_792 = arith.constant dense<0> : vector<512xi32>
    %reduce_sum3A_793 = vector.multi_reduction <add>, %select_n3A_791, %reduce_sum3A_792 [0] : vector<8x512xi32> to vector<512xi32>
    %broadcast_in_dim3A_794 = vector.shape_cast %reduce_sum3A_793 : vector<512xi32> to vector<1x512xi32>
    %add3A_795 = arith.addi %add3A_599, %broadcast_in_dim3A_794 : vector<1x512xi32>
    %eq3A_796 = arith.constant 3 : i32
    %eq3A_797 = vector.broadcast %eq3A_796 : i32 to vector<8x512xi32>
    %eq3A_798 = arith.cmpi eq, %add3A_753, %eq3A_797 : vector<8x512xi32>
    %and3A_799 = arith.andi %lt3A_752, %eq3A_798 : vector<8x512xi1>
    %jit3A_800 = arith.constant 0 : i32
    %broadcast_in_dim3A_801 = vector.shape_cast %add3A_756 : vector<8x1xi32> to vector<8x1xi32>
    %broadcast_in_dim3A_802 = vector.broadcast %broadcast_in_dim3A_801 : vector<8x1xi32> to vector<8x512xi32>
    %broadcast_in_dim3A_803 = vector.broadcast %jit3A_800 : i32 to vector<8x512xi32>
    %select_n3A_804 = arith.select %and3A_799, %broadcast_in_dim3A_802, %broadcast_in_dim3A_803 : vector<8x512xi1>, vector<8x512xi32>
    %reduce_sum3A_805 = arith.constant dense<0> : vector<512xi32>
    %reduce_sum3A_806 = vector.multi_reduction <add>, %select_n3A_804, %reduce_sum3A_805 [0] : vector<8x512xi32> to vector<512xi32>
    %broadcast_in_dim3A_807 = vector.shape_cast %reduce_sum3A_806 : vector<512xi32> to vector<1x512xi32>
    %add3A_808 = arith.addi %add3A_612, %broadcast_in_dim3A_807 : vector<1x512xi32>
    %eq3A_809 = arith.constant 4 : i32
    %eq3A_810 = vector.broadcast %eq3A_809 : i32 to vector<8x512xi32>
    %eq3A_811 = arith.cmpi eq, %add3A_753, %eq3A_810 : vector<8x512xi32>
    %and3A_812 = arith.andi %lt3A_752, %eq3A_811 : vector<8x512xi1>
    %jit3A_813 = arith.constant 0 : i32
    %broadcast_in_dim3A_814 = vector.shape_cast %add3A_756 : vector<8x1xi32> to vector<8x1xi32>
    %broadcast_in_dim3A_815 = vector.broadcast %broadcast_in_dim3A_814 : vector<8x1xi32> to vector<8x512xi32>
    %broadcast_in_dim3A_816 = vector.broadcast %jit3A_813 : i32 to vector<8x512xi32>
    %select_n3A_817 = arith.select %and3A_812, %broadcast_in_dim3A_815, %broadcast_in_dim3A_816 : vector<8x512xi1>, vector<8x512xi32>
    %reduce_sum3A_818 = arith.constant dense<0> : vector<512xi32>
    %reduce_sum3A_819 = vector.multi_reduction <add>, %select_n3A_817, %reduce_sum3A_818 [0] : vector<8x512xi32> to vector<512xi32>
    %broadcast_in_dim3A_820 = vector.shape_cast %reduce_sum3A_819 : vector<512xi32> to vector<1x512xi32>
    %add3A_821 = arith.addi %add3A_625, %broadcast_in_dim3A_820 : vector<1x512xi32>
    %eq3A_822 = arith.constant 5 : i32
    %eq3A_823 = vector.broadcast %eq3A_822 : i32 to vector<8x512xi32>
    %eq3A_824 = arith.cmpi eq, %add3A_753, %eq3A_823 : vector<8x512xi32>
    %and3A_825 = arith.andi %lt3A_752, %eq3A_824 : vector<8x512xi1>
    %jit3A_826 = arith.constant 0 : i32
    %broadcast_in_dim3A_827 = vector.shape_cast %add3A_756 : vector<8x1xi32> to vector<8x1xi32>
    %broadcast_in_dim3A_828 = vector.broadcast %broadcast_in_dim3A_827 : vector<8x1xi32> to vector<8x512xi32>
    %broadcast_in_dim3A_829 = vector.broadcast %jit3A_826 : i32 to vector<8x512xi32>
    %select_n3A_830 = arith.select %and3A_825, %broadcast_in_dim3A_828, %broadcast_in_dim3A_829 : vector<8x512xi1>, vector<8x512xi32>
    %reduce_sum3A_831 = arith.constant dense<0> : vector<512xi32>
    %reduce_sum3A_832 = vector.multi_reduction <add>, %select_n3A_830, %reduce_sum3A_831 [0] : vector<8x512xi32> to vector<512xi32>
    %broadcast_in_dim3A_833 = vector.shape_cast %reduce_sum3A_832 : vector<512xi32> to vector<1x512xi32>
    %add3A_834 = arith.addi %add3A_638, %broadcast_in_dim3A_833 : vector<1x512xi32>
    %slice3A_835 = vector.extract_strided_slice %add3A_168 {offsets = [16, 0], sizes = [8, 512], strides = [1, 1]} : vector<32x512xf32> to vector<8x512xf32>
    %broadcast_in_dim3A_836 = arith.constant 0 : i32
    %broadcast_in_dim3A_837 = vector.broadcast %broadcast_in_dim3A_836 : i32 to vector<8x512xi32>
    %slice3A_838 = vector.extract_strided_slice %slice3A_835 {offsets = [0, 0], sizes = [1, 512], strides = [1, 1]} : vector<8x512xf32> to vector<1x512xf32>
    %gt3A_839 = vector.broadcast %slice3A_838 : vector<1x512xf32> to vector<8x512xf32>
    %gt3A_840 = arith.cmpf ogt, %gt3A_839, %slice3A_835 : vector<8x512xf32>
    %eq3A_841 = vector.broadcast %slice3A_838 : vector<1x512xf32> to vector<8x512xf32>
    %eq3A_842 = arith.cmpf oeq, %eq3A_841, %slice3A_835 : vector<8x512xf32>
    %gt3A_843 = arith.constant 0 : i32
    %gt3A_844 = vector.broadcast %gt3A_843 : i32 to vector<8x1xi32>
    %gt3A_845 = arith.cmpi sgt, %iota3A_430, %gt3A_844 : vector<8x1xi32>
    %and3A_846 = vector.broadcast %gt3A_845 : vector<8x1xi1> to vector<8x512xi1>
    %and3A_847 = arith.andi %eq3A_842, %and3A_846 : vector<8x512xi1>
    %or3A_848 = arith.ori %gt3A_840, %and3A_847 : vector<8x512xi1>
    %convert_element_type3A_849 = arith.extui %or3A_848 : vector<8x512xi1> to vector<8x512xi32>
    %add3A_850 = arith.addi %broadcast_in_dim3A_837, %convert_element_type3A_849 : vector<8x512xi32>
    %slice3A_851 = vector.extract_strided_slice %slice3A_835 {offsets = [1, 0], sizes = [1, 512], strides = [1, 1]} : vector<8x512xf32> to vector<1x512xf32>
    %gt3A_852 = vector.broadcast %slice3A_851 : vector<1x512xf32> to vector<8x512xf32>
    %gt3A_853 = arith.cmpf ogt, %gt3A_852, %slice3A_835 : vector<8x512xf32>
    %eq3A_854 = vector.broadcast %slice3A_851 : vector<1x512xf32> to vector<8x512xf32>
    %eq3A_855 = arith.cmpf oeq, %eq3A_854, %slice3A_835 : vector<8x512xf32>
    %gt3A_856 = arith.constant 1 : i32
    %gt3A_857 = vector.broadcast %gt3A_856 : i32 to vector<8x1xi32>
    %gt3A_858 = arith.cmpi sgt, %iota3A_430, %gt3A_857 : vector<8x1xi32>
    %and3A_859 = vector.broadcast %gt3A_858 : vector<8x1xi1> to vector<8x512xi1>
    %and3A_860 = arith.andi %eq3A_855, %and3A_859 : vector<8x512xi1>
    %or3A_861 = arith.ori %gt3A_853, %and3A_860 : vector<8x512xi1>
    %convert_element_type3A_862 = arith.extui %or3A_861 : vector<8x512xi1> to vector<8x512xi32>
    %add3A_863 = arith.addi %add3A_850, %convert_element_type3A_862 : vector<8x512xi32>
    %slice3A_864 = vector.extract_strided_slice %slice3A_835 {offsets = [2, 0], sizes = [1, 512], strides = [1, 1]} : vector<8x512xf32> to vector<1x512xf32>
    %gt3A_865 = vector.broadcast %slice3A_864 : vector<1x512xf32> to vector<8x512xf32>
    %gt3A_866 = arith.cmpf ogt, %gt3A_865, %slice3A_835 : vector<8x512xf32>
    %eq3A_867 = vector.broadcast %slice3A_864 : vector<1x512xf32> to vector<8x512xf32>
    %eq3A_868 = arith.cmpf oeq, %eq3A_867, %slice3A_835 : vector<8x512xf32>
    %gt3A_869 = arith.constant 2 : i32
    %gt3A_870 = vector.broadcast %gt3A_869 : i32 to vector<8x1xi32>
    %gt3A_871 = arith.cmpi sgt, %iota3A_430, %gt3A_870 : vector<8x1xi32>
    %and3A_872 = vector.broadcast %gt3A_871 : vector<8x1xi1> to vector<8x512xi1>
    %and3A_873 = arith.andi %eq3A_868, %and3A_872 : vector<8x512xi1>
    %or3A_874 = arith.ori %gt3A_866, %and3A_873 : vector<8x512xi1>
    %convert_element_type3A_875 = arith.extui %or3A_874 : vector<8x512xi1> to vector<8x512xi32>
    %add3A_876 = arith.addi %add3A_863, %convert_element_type3A_875 : vector<8x512xi32>
    %slice3A_877 = vector.extract_strided_slice %slice3A_835 {offsets = [3, 0], sizes = [1, 512], strides = [1, 1]} : vector<8x512xf32> to vector<1x512xf32>
    %gt3A_878 = vector.broadcast %slice3A_877 : vector<1x512xf32> to vector<8x512xf32>
    %gt3A_879 = arith.cmpf ogt, %gt3A_878, %slice3A_835 : vector<8x512xf32>
    %eq3A_880 = vector.broadcast %slice3A_877 : vector<1x512xf32> to vector<8x512xf32>
    %eq3A_881 = arith.cmpf oeq, %eq3A_880, %slice3A_835 : vector<8x512xf32>
    %gt3A_882 = arith.constant 3 : i32
    %gt3A_883 = vector.broadcast %gt3A_882 : i32 to vector<8x1xi32>
    %gt3A_884 = arith.cmpi sgt, %iota3A_430, %gt3A_883 : vector<8x1xi32>
    %and3A_885 = vector.broadcast %gt3A_884 : vector<8x1xi1> to vector<8x512xi1>
    %and3A_886 = arith.andi %eq3A_881, %and3A_885 : vector<8x512xi1>
    %or3A_887 = arith.ori %gt3A_879, %and3A_886 : vector<8x512xi1>
    %convert_element_type3A_888 = arith.extui %or3A_887 : vector<8x512xi1> to vector<8x512xi32>
    %add3A_889 = arith.addi %add3A_876, %convert_element_type3A_888 : vector<8x512xi32>
    %slice3A_890 = vector.extract_strided_slice %slice3A_835 {offsets = [4, 0], sizes = [1, 512], strides = [1, 1]} : vector<8x512xf32> to vector<1x512xf32>
    %gt3A_891 = vector.broadcast %slice3A_890 : vector<1x512xf32> to vector<8x512xf32>
    %gt3A_892 = arith.cmpf ogt, %gt3A_891, %slice3A_835 : vector<8x512xf32>
    %eq3A_893 = vector.broadcast %slice3A_890 : vector<1x512xf32> to vector<8x512xf32>
    %eq3A_894 = arith.cmpf oeq, %eq3A_893, %slice3A_835 : vector<8x512xf32>
    %gt3A_895 = arith.constant 4 : i32
    %gt3A_896 = vector.broadcast %gt3A_895 : i32 to vector<8x1xi32>
    %gt3A_897 = arith.cmpi sgt, %iota3A_430, %gt3A_896 : vector<8x1xi32>
    %and3A_898 = vector.broadcast %gt3A_897 : vector<8x1xi1> to vector<8x512xi1>
    %and3A_899 = arith.andi %eq3A_894, %and3A_898 : vector<8x512xi1>
    %or3A_900 = arith.ori %gt3A_892, %and3A_899 : vector<8x512xi1>
    %convert_element_type3A_901 = arith.extui %or3A_900 : vector<8x512xi1> to vector<8x512xi32>
    %add3A_902 = arith.addi %add3A_889, %convert_element_type3A_901 : vector<8x512xi32>
    %slice3A_903 = vector.extract_strided_slice %slice3A_835 {offsets = [5, 0], sizes = [1, 512], strides = [1, 1]} : vector<8x512xf32> to vector<1x512xf32>
    %gt3A_904 = vector.broadcast %slice3A_903 : vector<1x512xf32> to vector<8x512xf32>
    %gt3A_905 = arith.cmpf ogt, %gt3A_904, %slice3A_835 : vector<8x512xf32>
    %eq3A_906 = vector.broadcast %slice3A_903 : vector<1x512xf32> to vector<8x512xf32>
    %eq3A_907 = arith.cmpf oeq, %eq3A_906, %slice3A_835 : vector<8x512xf32>
    %gt3A_908 = arith.constant 5 : i32
    %gt3A_909 = vector.broadcast %gt3A_908 : i32 to vector<8x1xi32>
    %gt3A_910 = arith.cmpi sgt, %iota3A_430, %gt3A_909 : vector<8x1xi32>
    %and3A_911 = vector.broadcast %gt3A_910 : vector<8x1xi1> to vector<8x512xi1>
    %and3A_912 = arith.andi %eq3A_907, %and3A_911 : vector<8x512xi1>
    %or3A_913 = arith.ori %gt3A_905, %and3A_912 : vector<8x512xi1>
    %convert_element_type3A_914 = arith.extui %or3A_913 : vector<8x512xi1> to vector<8x512xi32>
    %add3A_915 = arith.addi %add3A_902, %convert_element_type3A_914 : vector<8x512xi32>
    %slice3A_916 = vector.extract_strided_slice %slice3A_835 {offsets = [6, 0], sizes = [1, 512], strides = [1, 1]} : vector<8x512xf32> to vector<1x512xf32>
    %gt3A_917 = vector.broadcast %slice3A_916 : vector<1x512xf32> to vector<8x512xf32>
    %gt3A_918 = arith.cmpf ogt, %gt3A_917, %slice3A_835 : vector<8x512xf32>
    %eq3A_919 = vector.broadcast %slice3A_916 : vector<1x512xf32> to vector<8x512xf32>
    %eq3A_920 = arith.cmpf oeq, %eq3A_919, %slice3A_835 : vector<8x512xf32>
    %gt3A_921 = arith.constant 6 : i32
    %gt3A_922 = vector.broadcast %gt3A_921 : i32 to vector<8x1xi32>
    %gt3A_923 = arith.cmpi sgt, %iota3A_430, %gt3A_922 : vector<8x1xi32>
    %and3A_924 = vector.broadcast %gt3A_923 : vector<8x1xi1> to vector<8x512xi1>
    %and3A_925 = arith.andi %eq3A_920, %and3A_924 : vector<8x512xi1>
    %or3A_926 = arith.ori %gt3A_918, %and3A_925 : vector<8x512xi1>
    %convert_element_type3A_927 = arith.extui %or3A_926 : vector<8x512xi1> to vector<8x512xi32>
    %add3A_928 = arith.addi %add3A_915, %convert_element_type3A_927 : vector<8x512xi32>
    %slice3A_929 = vector.extract_strided_slice %slice3A_835 {offsets = [7, 0], sizes = [1, 512], strides = [1, 1]} : vector<8x512xf32> to vector<1x512xf32>
    %gt3A_930 = vector.broadcast %slice3A_929 : vector<1x512xf32> to vector<8x512xf32>
    %gt3A_931 = arith.cmpf ogt, %gt3A_930, %slice3A_835 : vector<8x512xf32>
    %eq3A_932 = vector.broadcast %slice3A_929 : vector<1x512xf32> to vector<8x512xf32>
    %eq3A_933 = arith.cmpf oeq, %eq3A_932, %slice3A_835 : vector<8x512xf32>
    %gt3A_934 = arith.constant 7 : i32
    %gt3A_935 = vector.broadcast %gt3A_934 : i32 to vector<8x1xi32>
    %gt3A_936 = arith.cmpi sgt, %iota3A_430, %gt3A_935 : vector<8x1xi32>
    %and3A_937 = vector.broadcast %gt3A_936 : vector<8x1xi1> to vector<8x512xi1>
    %and3A_938 = arith.andi %eq3A_933, %and3A_937 : vector<8x512xi1>
    %or3A_939 = arith.ori %gt3A_931, %and3A_938 : vector<8x512xi1>
    %convert_element_type3A_940 = arith.extui %or3A_939 : vector<8x512xi1> to vector<8x512xi32>
    %add3A_941 = arith.addi %add3A_928, %convert_element_type3A_940 : vector<8x512xi32>
    %slice3A_942 = vector.extract_strided_slice %add3A_389 {offsets = [2, 0], sizes = [1, 512], strides = [1, 1]} : vector<4x512xi32> to vector<1x512xi32>
    %broadcast_in_dim3A_943 = vector.shape_cast %slice3A_942 : vector<1x512xi32> to vector<1x512xi32>
    %broadcast_in_dim3A_944 = vector.broadcast %broadcast_in_dim3A_943 : vector<1x512xi32> to vector<8x512xi32>
    %slice3A_945 = vector.extract_strided_slice %add3A_429 {offsets = [2, 0], sizes = [1, 512], strides = [1, 1]} : vector<4x512xi32> to vector<1x512xi32>
    %broadcast_in_dim3A_946 = vector.shape_cast %slice3A_945 : vector<1x512xi32> to vector<1x512xi32>
    %broadcast_in_dim3A_947 = vector.broadcast %broadcast_in_dim3A_946 : vector<1x512xi32> to vector<8x512xi32>
    %lt3A_948 = arith.cmpi slt, %add3A_941, %broadcast_in_dim3A_944 : vector<8x512xi32>
    %add3A_949 = arith.addi %broadcast_in_dim3A_947, %add3A_941 : vector<8x512xi32>
    %add3A_950 = arith.constant 16 : i32
    %add3A_951 = vector.broadcast %add3A_950 : i32 to vector<8x1xi32>
    %add3A_952 = arith.addi %iota3A_430, %add3A_951 : vector<8x1xi32>
    %eq3A_953 = arith.constant 0 : i32
    %eq3A_954 = vector.broadcast %eq3A_953 : i32 to vector<8x512xi32>
    %eq3A_955 = arith.cmpi eq, %add3A_949, %eq3A_954 : vector<8x512xi32>
    %and3A_956 = arith.andi %lt3A_948, %eq3A_955 : vector<8x512xi1>
    %jit3A_957 = arith.constant 0 : i32
    %broadcast_in_dim3A_958 = vector.shape_cast %add3A_952 : vector<8x1xi32> to vector<8x1xi32>
    %broadcast_in_dim3A_959 = vector.broadcast %broadcast_in_dim3A_958 : vector<8x1xi32> to vector<8x512xi32>
    %broadcast_in_dim3A_960 = vector.broadcast %jit3A_957 : i32 to vector<8x512xi32>
    %select_n3A_961 = arith.select %and3A_956, %broadcast_in_dim3A_959, %broadcast_in_dim3A_960 : vector<8x512xi1>, vector<8x512xi32>
    %reduce_sum3A_962 = arith.constant dense<0> : vector<512xi32>
    %reduce_sum3A_963 = vector.multi_reduction <add>, %select_n3A_961, %reduce_sum3A_962 [0] : vector<8x512xi32> to vector<512xi32>
    %broadcast_in_dim3A_964 = vector.shape_cast %reduce_sum3A_963 : vector<512xi32> to vector<1x512xi32>
    %add3A_965 = arith.addi %add3A_769, %broadcast_in_dim3A_964 : vector<1x512xi32>
    %eq3A_966 = arith.constant 1 : i32
    %eq3A_967 = vector.broadcast %eq3A_966 : i32 to vector<8x512xi32>
    %eq3A_968 = arith.cmpi eq, %add3A_949, %eq3A_967 : vector<8x512xi32>
    %and3A_969 = arith.andi %lt3A_948, %eq3A_968 : vector<8x512xi1>
    %jit3A_970 = arith.constant 0 : i32
    %broadcast_in_dim3A_971 = vector.shape_cast %add3A_952 : vector<8x1xi32> to vector<8x1xi32>
    %broadcast_in_dim3A_972 = vector.broadcast %broadcast_in_dim3A_971 : vector<8x1xi32> to vector<8x512xi32>
    %broadcast_in_dim3A_973 = vector.broadcast %jit3A_970 : i32 to vector<8x512xi32>
    %select_n3A_974 = arith.select %and3A_969, %broadcast_in_dim3A_972, %broadcast_in_dim3A_973 : vector<8x512xi1>, vector<8x512xi32>
    %reduce_sum3A_975 = arith.constant dense<0> : vector<512xi32>
    %reduce_sum3A_976 = vector.multi_reduction <add>, %select_n3A_974, %reduce_sum3A_975 [0] : vector<8x512xi32> to vector<512xi32>
    %broadcast_in_dim3A_977 = vector.shape_cast %reduce_sum3A_976 : vector<512xi32> to vector<1x512xi32>
    %add3A_978 = arith.addi %add3A_782, %broadcast_in_dim3A_977 : vector<1x512xi32>
    %eq3A_979 = arith.constant 2 : i32
    %eq3A_980 = vector.broadcast %eq3A_979 : i32 to vector<8x512xi32>
    %eq3A_981 = arith.cmpi eq, %add3A_949, %eq3A_980 : vector<8x512xi32>
    %and3A_982 = arith.andi %lt3A_948, %eq3A_981 : vector<8x512xi1>
    %jit3A_983 = arith.constant 0 : i32
    %broadcast_in_dim3A_984 = vector.shape_cast %add3A_952 : vector<8x1xi32> to vector<8x1xi32>
    %broadcast_in_dim3A_985 = vector.broadcast %broadcast_in_dim3A_984 : vector<8x1xi32> to vector<8x512xi32>
    %broadcast_in_dim3A_986 = vector.broadcast %jit3A_983 : i32 to vector<8x512xi32>
    %select_n3A_987 = arith.select %and3A_982, %broadcast_in_dim3A_985, %broadcast_in_dim3A_986 : vector<8x512xi1>, vector<8x512xi32>
    %reduce_sum3A_988 = arith.constant dense<0> : vector<512xi32>
    %reduce_sum3A_989 = vector.multi_reduction <add>, %select_n3A_987, %reduce_sum3A_988 [0] : vector<8x512xi32> to vector<512xi32>
    %broadcast_in_dim3A_990 = vector.shape_cast %reduce_sum3A_989 : vector<512xi32> to vector<1x512xi32>
    %add3A_991 = arith.addi %add3A_795, %broadcast_in_dim3A_990 : vector<1x512xi32>
    %eq3A_992 = arith.constant 3 : i32
    %eq3A_993 = vector.broadcast %eq3A_992 : i32 to vector<8x512xi32>
    %eq3A_994 = arith.cmpi eq, %add3A_949, %eq3A_993 : vector<8x512xi32>
    %and3A_995 = arith.andi %lt3A_948, %eq3A_994 : vector<8x512xi1>
    %jit3A_996 = arith.constant 0 : i32
    %broadcast_in_dim3A_997 = vector.shape_cast %add3A_952 : vector<8x1xi32> to vector<8x1xi32>
    %broadcast_in_dim3A_998 = vector.broadcast %broadcast_in_dim3A_997 : vector<8x1xi32> to vector<8x512xi32>
    %broadcast_in_dim3A_999 = vector.broadcast %jit3A_996 : i32 to vector<8x512xi32>
    %select_n3A_1000 = arith.select %and3A_995, %broadcast_in_dim3A_998, %broadcast_in_dim3A_999 : vector<8x512xi1>, vector<8x512xi32>
    %reduce_sum3A_1001 = arith.constant dense<0> : vector<512xi32>
    %reduce_sum3A_1002 = vector.multi_reduction <add>, %select_n3A_1000, %reduce_sum3A_1001 [0] : vector<8x512xi32> to vector<512xi32>
    %broadcast_in_dim3A_1003 = vector.shape_cast %reduce_sum3A_1002 : vector<512xi32> to vector<1x512xi32>
    %add3A_1004 = arith.addi %add3A_808, %broadcast_in_dim3A_1003 : vector<1x512xi32>
    %eq3A_1005 = arith.constant 4 : i32
    %eq3A_1006 = vector.broadcast %eq3A_1005 : i32 to vector<8x512xi32>
    %eq3A_1007 = arith.cmpi eq, %add3A_949, %eq3A_1006 : vector<8x512xi32>
    %and3A_1008 = arith.andi %lt3A_948, %eq3A_1007 : vector<8x512xi1>
    %jit3A_1009 = arith.constant 0 : i32
    %broadcast_in_dim3A_1010 = vector.shape_cast %add3A_952 : vector<8x1xi32> to vector<8x1xi32>
    %broadcast_in_dim3A_1011 = vector.broadcast %broadcast_in_dim3A_1010 : vector<8x1xi32> to vector<8x512xi32>
    %broadcast_in_dim3A_1012 = vector.broadcast %jit3A_1009 : i32 to vector<8x512xi32>
    %select_n3A_1013 = arith.select %and3A_1008, %broadcast_in_dim3A_1011, %broadcast_in_dim3A_1012 : vector<8x512xi1>, vector<8x512xi32>
    %reduce_sum3A_1014 = arith.constant dense<0> : vector<512xi32>
    %reduce_sum3A_1015 = vector.multi_reduction <add>, %select_n3A_1013, %reduce_sum3A_1014 [0] : vector<8x512xi32> to vector<512xi32>
    %broadcast_in_dim3A_1016 = vector.shape_cast %reduce_sum3A_1015 : vector<512xi32> to vector<1x512xi32>
    %add3A_1017 = arith.addi %add3A_821, %broadcast_in_dim3A_1016 : vector<1x512xi32>
    %eq3A_1018 = arith.constant 5 : i32
    %eq3A_1019 = vector.broadcast %eq3A_1018 : i32 to vector<8x512xi32>
    %eq3A_1020 = arith.cmpi eq, %add3A_949, %eq3A_1019 : vector<8x512xi32>
    %and3A_1021 = arith.andi %lt3A_948, %eq3A_1020 : vector<8x512xi1>
    %jit3A_1022 = arith.constant 0 : i32
    %broadcast_in_dim3A_1023 = vector.shape_cast %add3A_952 : vector<8x1xi32> to vector<8x1xi32>
    %broadcast_in_dim3A_1024 = vector.broadcast %broadcast_in_dim3A_1023 : vector<8x1xi32> to vector<8x512xi32>
    %broadcast_in_dim3A_1025 = vector.broadcast %jit3A_1022 : i32 to vector<8x512xi32>
    %select_n3A_1026 = arith.select %and3A_1021, %broadcast_in_dim3A_1024, %broadcast_in_dim3A_1025 : vector<8x512xi1>, vector<8x512xi32>
    %reduce_sum3A_1027 = arith.constant dense<0> : vector<512xi32>
    %reduce_sum3A_1028 = vector.multi_reduction <add>, %select_n3A_1026, %reduce_sum3A_1027 [0] : vector<8x512xi32> to vector<512xi32>
    %broadcast_in_dim3A_1029 = vector.shape_cast %reduce_sum3A_1028 : vector<512xi32> to vector<1x512xi32>
    %add3A_1030 = arith.addi %add3A_834, %broadcast_in_dim3A_1029 : vector<1x512xi32>
    %slice3A_1031 = vector.extract_strided_slice %add3A_168 {offsets = [24, 0], sizes = [8, 512], strides = [1, 1]} : vector<32x512xf32> to vector<8x512xf32>
    %broadcast_in_dim3A_1032 = arith.constant 0 : i32
    %broadcast_in_dim3A_1033 = vector.broadcast %broadcast_in_dim3A_1032 : i32 to vector<8x512xi32>
    %slice3A_1034 = vector.extract_strided_slice %slice3A_1031 {offsets = [0, 0], sizes = [1, 512], strides = [1, 1]} : vector<8x512xf32> to vector<1x512xf32>
    %gt3A_1035 = vector.broadcast %slice3A_1034 : vector<1x512xf32> to vector<8x512xf32>
    %gt3A_1036 = arith.cmpf ogt, %gt3A_1035, %slice3A_1031 : vector<8x512xf32>
    %eq3A_1037 = vector.broadcast %slice3A_1034 : vector<1x512xf32> to vector<8x512xf32>
    %eq3A_1038 = arith.cmpf oeq, %eq3A_1037, %slice3A_1031 : vector<8x512xf32>
    %gt3A_1039 = arith.constant 0 : i32
    %gt3A_1040 = vector.broadcast %gt3A_1039 : i32 to vector<8x1xi32>
    %gt3A_1041 = arith.cmpi sgt, %iota3A_430, %gt3A_1040 : vector<8x1xi32>
    %and3A_1042 = vector.broadcast %gt3A_1041 : vector<8x1xi1> to vector<8x512xi1>
    %and3A_1043 = arith.andi %eq3A_1038, %and3A_1042 : vector<8x512xi1>
    %or3A_1044 = arith.ori %gt3A_1036, %and3A_1043 : vector<8x512xi1>
    %convert_element_type3A_1045 = arith.extui %or3A_1044 : vector<8x512xi1> to vector<8x512xi32>
    %add3A_1046 = arith.addi %broadcast_in_dim3A_1033, %convert_element_type3A_1045 : vector<8x512xi32>
    %slice3A_1047 = vector.extract_strided_slice %slice3A_1031 {offsets = [1, 0], sizes = [1, 512], strides = [1, 1]} : vector<8x512xf32> to vector<1x512xf32>
    %gt3A_1048 = vector.broadcast %slice3A_1047 : vector<1x512xf32> to vector<8x512xf32>
    %gt3A_1049 = arith.cmpf ogt, %gt3A_1048, %slice3A_1031 : vector<8x512xf32>
    %eq3A_1050 = vector.broadcast %slice3A_1047 : vector<1x512xf32> to vector<8x512xf32>
    %eq3A_1051 = arith.cmpf oeq, %eq3A_1050, %slice3A_1031 : vector<8x512xf32>
    %gt3A_1052 = arith.constant 1 : i32
    %gt3A_1053 = vector.broadcast %gt3A_1052 : i32 to vector<8x1xi32>
    %gt3A_1054 = arith.cmpi sgt, %iota3A_430, %gt3A_1053 : vector<8x1xi32>
    %and3A_1055 = vector.broadcast %gt3A_1054 : vector<8x1xi1> to vector<8x512xi1>
    %and3A_1056 = arith.andi %eq3A_1051, %and3A_1055 : vector<8x512xi1>
    %or3A_1057 = arith.ori %gt3A_1049, %and3A_1056 : vector<8x512xi1>
    %convert_element_type3A_1058 = arith.extui %or3A_1057 : vector<8x512xi1> to vector<8x512xi32>
    %add3A_1059 = arith.addi %add3A_1046, %convert_element_type3A_1058 : vector<8x512xi32>
    %slice3A_1060 = vector.extract_strided_slice %slice3A_1031 {offsets = [2, 0], sizes = [1, 512], strides = [1, 1]} : vector<8x512xf32> to vector<1x512xf32>
    %gt3A_1061 = vector.broadcast %slice3A_1060 : vector<1x512xf32> to vector<8x512xf32>
    %gt3A_1062 = arith.cmpf ogt, %gt3A_1061, %slice3A_1031 : vector<8x512xf32>
    %eq3A_1063 = vector.broadcast %slice3A_1060 : vector<1x512xf32> to vector<8x512xf32>
    %eq3A_1064 = arith.cmpf oeq, %eq3A_1063, %slice3A_1031 : vector<8x512xf32>
    %gt3A_1065 = arith.constant 2 : i32
    %gt3A_1066 = vector.broadcast %gt3A_1065 : i32 to vector<8x1xi32>
    %gt3A_1067 = arith.cmpi sgt, %iota3A_430, %gt3A_1066 : vector<8x1xi32>
    %and3A_1068 = vector.broadcast %gt3A_1067 : vector<8x1xi1> to vector<8x512xi1>
    %and3A_1069 = arith.andi %eq3A_1064, %and3A_1068 : vector<8x512xi1>
    %or3A_1070 = arith.ori %gt3A_1062, %and3A_1069 : vector<8x512xi1>
    %convert_element_type3A_1071 = arith.extui %or3A_1070 : vector<8x512xi1> to vector<8x512xi32>
    %add3A_1072 = arith.addi %add3A_1059, %convert_element_type3A_1071 : vector<8x512xi32>
    %slice3A_1073 = vector.extract_strided_slice %slice3A_1031 {offsets = [3, 0], sizes = [1, 512], strides = [1, 1]} : vector<8x512xf32> to vector<1x512xf32>
    %gt3A_1074 = vector.broadcast %slice3A_1073 : vector<1x512xf32> to vector<8x512xf32>
    %gt3A_1075 = arith.cmpf ogt, %gt3A_1074, %slice3A_1031 : vector<8x512xf32>
    %eq3A_1076 = vector.broadcast %slice3A_1073 : vector<1x512xf32> to vector<8x512xf32>
    %eq3A_1077 = arith.cmpf oeq, %eq3A_1076, %slice3A_1031 : vector<8x512xf32>
    %gt3A_1078 = arith.constant 3 : i32
    %gt3A_1079 = vector.broadcast %gt3A_1078 : i32 to vector<8x1xi32>
    %gt3A_1080 = arith.cmpi sgt, %iota3A_430, %gt3A_1079 : vector<8x1xi32>
    %and3A_1081 = vector.broadcast %gt3A_1080 : vector<8x1xi1> to vector<8x512xi1>
    %and3A_1082 = arith.andi %eq3A_1077, %and3A_1081 : vector<8x512xi1>
    %or3A_1083 = arith.ori %gt3A_1075, %and3A_1082 : vector<8x512xi1>
    %convert_element_type3A_1084 = arith.extui %or3A_1083 : vector<8x512xi1> to vector<8x512xi32>
    %add3A_1085 = arith.addi %add3A_1072, %convert_element_type3A_1084 : vector<8x512xi32>
    %slice3A_1086 = vector.extract_strided_slice %slice3A_1031 {offsets = [4, 0], sizes = [1, 512], strides = [1, 1]} : vector<8x512xf32> to vector<1x512xf32>
    %gt3A_1087 = vector.broadcast %slice3A_1086 : vector<1x512xf32> to vector<8x512xf32>
    %gt3A_1088 = arith.cmpf ogt, %gt3A_1087, %slice3A_1031 : vector<8x512xf32>
    %eq3A_1089 = vector.broadcast %slice3A_1086 : vector<1x512xf32> to vector<8x512xf32>
    %eq3A_1090 = arith.cmpf oeq, %eq3A_1089, %slice3A_1031 : vector<8x512xf32>
    %gt3A_1091 = arith.constant 4 : i32
    %gt3A_1092 = vector.broadcast %gt3A_1091 : i32 to vector<8x1xi32>
    %gt3A_1093 = arith.cmpi sgt, %iota3A_430, %gt3A_1092 : vector<8x1xi32>
    %and3A_1094 = vector.broadcast %gt3A_1093 : vector<8x1xi1> to vector<8x512xi1>
    %and3A_1095 = arith.andi %eq3A_1090, %and3A_1094 : vector<8x512xi1>
    %or3A_1096 = arith.ori %gt3A_1088, %and3A_1095 : vector<8x512xi1>
    %convert_element_type3A_1097 = arith.extui %or3A_1096 : vector<8x512xi1> to vector<8x512xi32>
    %add3A_1098 = arith.addi %add3A_1085, %convert_element_type3A_1097 : vector<8x512xi32>
    %slice3A_1099 = vector.extract_strided_slice %slice3A_1031 {offsets = [5, 0], sizes = [1, 512], strides = [1, 1]} : vector<8x512xf32> to vector<1x512xf32>
    %gt3A_1100 = vector.broadcast %slice3A_1099 : vector<1x512xf32> to vector<8x512xf32>
    %gt3A_1101 = arith.cmpf ogt, %gt3A_1100, %slice3A_1031 : vector<8x512xf32>
    %eq3A_1102 = vector.broadcast %slice3A_1099 : vector<1x512xf32> to vector<8x512xf32>
    %eq3A_1103 = arith.cmpf oeq, %eq3A_1102, %slice3A_1031 : vector<8x512xf32>
    %gt3A_1104 = arith.constant 5 : i32
    %gt3A_1105 = vector.broadcast %gt3A_1104 : i32 to vector<8x1xi32>
    %gt3A_1106 = arith.cmpi sgt, %iota3A_430, %gt3A_1105 : vector<8x1xi32>
    %and3A_1107 = vector.broadcast %gt3A_1106 : vector<8x1xi1> to vector<8x512xi1>
    %and3A_1108 = arith.andi %eq3A_1103, %and3A_1107 : vector<8x512xi1>
    %or3A_1109 = arith.ori %gt3A_1101, %and3A_1108 : vector<8x512xi1>
    %convert_element_type3A_1110 = arith.extui %or3A_1109 : vector<8x512xi1> to vector<8x512xi32>
    %add3A_1111 = arith.addi %add3A_1098, %convert_element_type3A_1110 : vector<8x512xi32>
    %slice3A_1112 = vector.extract_strided_slice %slice3A_1031 {offsets = [6, 0], sizes = [1, 512], strides = [1, 1]} : vector<8x512xf32> to vector<1x512xf32>
    %gt3A_1113 = vector.broadcast %slice3A_1112 : vector<1x512xf32> to vector<8x512xf32>
    %gt3A_1114 = arith.cmpf ogt, %gt3A_1113, %slice3A_1031 : vector<8x512xf32>
    %eq3A_1115 = vector.broadcast %slice3A_1112 : vector<1x512xf32> to vector<8x512xf32>
    %eq3A_1116 = arith.cmpf oeq, %eq3A_1115, %slice3A_1031 : vector<8x512xf32>
    %gt3A_1117 = arith.constant 6 : i32
    %gt3A_1118 = vector.broadcast %gt3A_1117 : i32 to vector<8x1xi32>
    %gt3A_1119 = arith.cmpi sgt, %iota3A_430, %gt3A_1118 : vector<8x1xi32>
    %and3A_1120 = vector.broadcast %gt3A_1119 : vector<8x1xi1> to vector<8x512xi1>
    %and3A_1121 = arith.andi %eq3A_1116, %and3A_1120 : vector<8x512xi1>
    %or3A_1122 = arith.ori %gt3A_1114, %and3A_1121 : vector<8x512xi1>
    %convert_element_type3A_1123 = arith.extui %or3A_1122 : vector<8x512xi1> to vector<8x512xi32>
    %add3A_1124 = arith.addi %add3A_1111, %convert_element_type3A_1123 : vector<8x512xi32>
    %slice3A_1125 = vector.extract_strided_slice %slice3A_1031 {offsets = [7, 0], sizes = [1, 512], strides = [1, 1]} : vector<8x512xf32> to vector<1x512xf32>
    %gt3A_1126 = vector.broadcast %slice3A_1125 : vector<1x512xf32> to vector<8x512xf32>
    %gt3A_1127 = arith.cmpf ogt, %gt3A_1126, %slice3A_1031 : vector<8x512xf32>
    %eq3A_1128 = vector.broadcast %slice3A_1125 : vector<1x512xf32> to vector<8x512xf32>
    %eq3A_1129 = arith.cmpf oeq, %eq3A_1128, %slice3A_1031 : vector<8x512xf32>
    %gt3A_1130 = arith.constant 7 : i32
    %gt3A_1131 = vector.broadcast %gt3A_1130 : i32 to vector<8x1xi32>
    %gt3A_1132 = arith.cmpi sgt, %iota3A_430, %gt3A_1131 : vector<8x1xi32>
    %and3A_1133 = vector.broadcast %gt3A_1132 : vector<8x1xi1> to vector<8x512xi1>
    %and3A_1134 = arith.andi %eq3A_1129, %and3A_1133 : vector<8x512xi1>
    %or3A_1135 = arith.ori %gt3A_1127, %and3A_1134 : vector<8x512xi1>
    %convert_element_type3A_1136 = arith.extui %or3A_1135 : vector<8x512xi1> to vector<8x512xi32>
    %add3A_1137 = arith.addi %add3A_1124, %convert_element_type3A_1136 : vector<8x512xi32>
    %slice3A_1138 = vector.extract_strided_slice %add3A_389 {offsets = [3, 0], sizes = [1, 512], strides = [1, 1]} : vector<4x512xi32> to vector<1x512xi32>
    %broadcast_in_dim3A_1139 = vector.shape_cast %slice3A_1138 : vector<1x512xi32> to vector<1x512xi32>
    %broadcast_in_dim3A_1140 = vector.broadcast %broadcast_in_dim3A_1139 : vector<1x512xi32> to vector<8x512xi32>
    %slice3A_1141 = vector.extract_strided_slice %add3A_429 {offsets = [3, 0], sizes = [1, 512], strides = [1, 1]} : vector<4x512xi32> to vector<1x512xi32>
    %broadcast_in_dim3A_1142 = vector.shape_cast %slice3A_1141 : vector<1x512xi32> to vector<1x512xi32>
    %broadcast_in_dim3A_1143 = vector.broadcast %broadcast_in_dim3A_1142 : vector<1x512xi32> to vector<8x512xi32>
    %lt3A_1144 = arith.cmpi slt, %add3A_1137, %broadcast_in_dim3A_1140 : vector<8x512xi32>
    %add3A_1145 = arith.addi %broadcast_in_dim3A_1143, %add3A_1137 : vector<8x512xi32>
    %add3A_1146 = arith.constant 24 : i32
    %add3A_1147 = vector.broadcast %add3A_1146 : i32 to vector<8x1xi32>
    %add3A_1148 = arith.addi %iota3A_430, %add3A_1147 : vector<8x1xi32>
    %eq3A_1149 = arith.constant 0 : i32
    %eq3A_1150 = vector.broadcast %eq3A_1149 : i32 to vector<8x512xi32>
    %eq3A_1151 = arith.cmpi eq, %add3A_1145, %eq3A_1150 : vector<8x512xi32>
    %and3A_1152 = arith.andi %lt3A_1144, %eq3A_1151 : vector<8x512xi1>
    %jit3A_1153 = arith.constant 0 : i32
    %broadcast_in_dim3A_1154 = vector.shape_cast %add3A_1148 : vector<8x1xi32> to vector<8x1xi32>
    %broadcast_in_dim3A_1155 = vector.broadcast %broadcast_in_dim3A_1154 : vector<8x1xi32> to vector<8x512xi32>
    %broadcast_in_dim3A_1156 = vector.broadcast %jit3A_1153 : i32 to vector<8x512xi32>
    %select_n3A_1157 = arith.select %and3A_1152, %broadcast_in_dim3A_1155, %broadcast_in_dim3A_1156 : vector<8x512xi1>, vector<8x512xi32>
    %reduce_sum3A_1158 = arith.constant dense<0> : vector<512xi32>
    %reduce_sum3A_1159 = vector.multi_reduction <add>, %select_n3A_1157, %reduce_sum3A_1158 [0] : vector<8x512xi32> to vector<512xi32>
    %broadcast_in_dim3A_1160 = vector.shape_cast %reduce_sum3A_1159 : vector<512xi32> to vector<1x512xi32>
    %add3A_1161 = arith.addi %add3A_965, %broadcast_in_dim3A_1160 : vector<1x512xi32>
    %eq3A_1162 = arith.constant 1 : i32
    %eq3A_1163 = vector.broadcast %eq3A_1162 : i32 to vector<8x512xi32>
    %eq3A_1164 = arith.cmpi eq, %add3A_1145, %eq3A_1163 : vector<8x512xi32>
    %and3A_1165 = arith.andi %lt3A_1144, %eq3A_1164 : vector<8x512xi1>
    %jit3A_1166 = arith.constant 0 : i32
    %broadcast_in_dim3A_1167 = vector.shape_cast %add3A_1148 : vector<8x1xi32> to vector<8x1xi32>
    %broadcast_in_dim3A_1168 = vector.broadcast %broadcast_in_dim3A_1167 : vector<8x1xi32> to vector<8x512xi32>
    %broadcast_in_dim3A_1169 = vector.broadcast %jit3A_1166 : i32 to vector<8x512xi32>
    %select_n3A_1170 = arith.select %and3A_1165, %broadcast_in_dim3A_1168, %broadcast_in_dim3A_1169 : vector<8x512xi1>, vector<8x512xi32>
    %reduce_sum3A_1171 = arith.constant dense<0> : vector<512xi32>
    %reduce_sum3A_1172 = vector.multi_reduction <add>, %select_n3A_1170, %reduce_sum3A_1171 [0] : vector<8x512xi32> to vector<512xi32>
    %broadcast_in_dim3A_1173 = vector.shape_cast %reduce_sum3A_1172 : vector<512xi32> to vector<1x512xi32>
    %add3A_1174 = arith.addi %add3A_978, %broadcast_in_dim3A_1173 : vector<1x512xi32>
    %eq3A_1175 = arith.constant 2 : i32
    %eq3A_1176 = vector.broadcast %eq3A_1175 : i32 to vector<8x512xi32>
    %eq3A_1177 = arith.cmpi eq, %add3A_1145, %eq3A_1176 : vector<8x512xi32>
    %and3A_1178 = arith.andi %lt3A_1144, %eq3A_1177 : vector<8x512xi1>
    %jit3A_1179 = arith.constant 0 : i32
    %broadcast_in_dim3A_1180 = vector.shape_cast %add3A_1148 : vector<8x1xi32> to vector<8x1xi32>
    %broadcast_in_dim3A_1181 = vector.broadcast %broadcast_in_dim3A_1180 : vector<8x1xi32> to vector<8x512xi32>
    %broadcast_in_dim3A_1182 = vector.broadcast %jit3A_1179 : i32 to vector<8x512xi32>
    %select_n3A_1183 = arith.select %and3A_1178, %broadcast_in_dim3A_1181, %broadcast_in_dim3A_1182 : vector<8x512xi1>, vector<8x512xi32>
    %reduce_sum3A_1184 = arith.constant dense<0> : vector<512xi32>
    %reduce_sum3A_1185 = vector.multi_reduction <add>, %select_n3A_1183, %reduce_sum3A_1184 [0] : vector<8x512xi32> to vector<512xi32>
    %broadcast_in_dim3A_1186 = vector.shape_cast %reduce_sum3A_1185 : vector<512xi32> to vector<1x512xi32>
    %add3A_1187 = arith.addi %add3A_991, %broadcast_in_dim3A_1186 : vector<1x512xi32>
    %eq3A_1188 = arith.constant 3 : i32
    %eq3A_1189 = vector.broadcast %eq3A_1188 : i32 to vector<8x512xi32>
    %eq3A_1190 = arith.cmpi eq, %add3A_1145, %eq3A_1189 : vector<8x512xi32>
    %and3A_1191 = arith.andi %lt3A_1144, %eq3A_1190 : vector<8x512xi1>
    %jit3A_1192 = arith.constant 0 : i32
    %broadcast_in_dim3A_1193 = vector.shape_cast %add3A_1148 : vector<8x1xi32> to vector<8x1xi32>
    %broadcast_in_dim3A_1194 = vector.broadcast %broadcast_in_dim3A_1193 : vector<8x1xi32> to vector<8x512xi32>
    %broadcast_in_dim3A_1195 = vector.broadcast %jit3A_1192 : i32 to vector<8x512xi32>
    %select_n3A_1196 = arith.select %and3A_1191, %broadcast_in_dim3A_1194, %broadcast_in_dim3A_1195 : vector<8x512xi1>, vector<8x512xi32>
    %reduce_sum3A_1197 = arith.constant dense<0> : vector<512xi32>
    %reduce_sum3A_1198 = vector.multi_reduction <add>, %select_n3A_1196, %reduce_sum3A_1197 [0] : vector<8x512xi32> to vector<512xi32>
    %broadcast_in_dim3A_1199 = vector.shape_cast %reduce_sum3A_1198 : vector<512xi32> to vector<1x512xi32>
    %add3A_1200 = arith.addi %add3A_1004, %broadcast_in_dim3A_1199 : vector<1x512xi32>
    %eq3A_1201 = arith.constant 4 : i32
    %eq3A_1202 = vector.broadcast %eq3A_1201 : i32 to vector<8x512xi32>
    %eq3A_1203 = arith.cmpi eq, %add3A_1145, %eq3A_1202 : vector<8x512xi32>
    %and3A_1204 = arith.andi %lt3A_1144, %eq3A_1203 : vector<8x512xi1>
    %jit3A_1205 = arith.constant 0 : i32
    %broadcast_in_dim3A_1206 = vector.shape_cast %add3A_1148 : vector<8x1xi32> to vector<8x1xi32>
    %broadcast_in_dim3A_1207 = vector.broadcast %broadcast_in_dim3A_1206 : vector<8x1xi32> to vector<8x512xi32>
    %broadcast_in_dim3A_1208 = vector.broadcast %jit3A_1205 : i32 to vector<8x512xi32>
    %select_n3A_1209 = arith.select %and3A_1204, %broadcast_in_dim3A_1207, %broadcast_in_dim3A_1208 : vector<8x512xi1>, vector<8x512xi32>
    %reduce_sum3A_1210 = arith.constant dense<0> : vector<512xi32>
    %reduce_sum3A_1211 = vector.multi_reduction <add>, %select_n3A_1209, %reduce_sum3A_1210 [0] : vector<8x512xi32> to vector<512xi32>
    %broadcast_in_dim3A_1212 = vector.shape_cast %reduce_sum3A_1211 : vector<512xi32> to vector<1x512xi32>
    %add3A_1213 = arith.addi %add3A_1017, %broadcast_in_dim3A_1212 : vector<1x512xi32>
    %eq3A_1214 = arith.constant 5 : i32
    %eq3A_1215 = vector.broadcast %eq3A_1214 : i32 to vector<8x512xi32>
    %eq3A_1216 = arith.cmpi eq, %add3A_1145, %eq3A_1215 : vector<8x512xi32>
    %and3A_1217 = arith.andi %lt3A_1144, %eq3A_1216 : vector<8x512xi1>
    %jit3A_1218 = arith.constant 0 : i32
    %broadcast_in_dim3A_1219 = vector.shape_cast %add3A_1148 : vector<8x1xi32> to vector<8x1xi32>
    %broadcast_in_dim3A_1220 = vector.broadcast %broadcast_in_dim3A_1219 : vector<8x1xi32> to vector<8x512xi32>
    %broadcast_in_dim3A_1221 = vector.broadcast %jit3A_1218 : i32 to vector<8x512xi32>
    %select_n3A_1222 = arith.select %and3A_1217, %broadcast_in_dim3A_1220, %broadcast_in_dim3A_1221 : vector<8x512xi1>, vector<8x512xi32>
    %reduce_sum3A_1223 = arith.constant dense<0> : vector<512xi32>
    %reduce_sum3A_1224 = vector.multi_reduction <add>, %select_n3A_1222, %reduce_sum3A_1223 [0] : vector<8x512xi32> to vector<512xi32>
    %broadcast_in_dim3A_1225 = vector.shape_cast %reduce_sum3A_1224 : vector<512xi32> to vector<1x512xi32>
    %add3A_1226 = arith.addi %add3A_1030, %broadcast_in_dim3A_1225 : vector<1x512xi32>
    %concatenate3A_1227 = tpu.concatenate %add3A_1161, %add3A_1174, %add3A_1187, %add3A_1200, %add3A_1213, %add3A_1226 in 0 : vector<1x512xi32>, vector<1x512xi32>, vector<1x512xi32>, vector<1x512xi32>, vector<1x512xi32>, vector<1x512xi32> -> vector<6x512xi32>
    %mul3A_1228 = arith.constant 512 : i32
    %mul3A_1229 = arith.muli %arg0, %mul3A_1228 : i32
    %iota3A_1230 = tpu.iota {dimensions = array<i32: 1>} : vector<1x512xi32>
    %add3A_1231 = vector.broadcast %mul3A_1229 : i32 to vector<1x512xi32>
    %add3A_1232 = arith.addi %add3A_1231, %iota3A_1230 : vector<1x512xi32>
    %mul3A_1233 = arith.constant 16 : i32
    %mul3A_1234 = vector.broadcast %mul3A_1233 : i32 to vector<1x512xi32>
    %mul3A_1235 = arith.muli %add3A_1232, %mul3A_1234 : vector<1x512xi32>
    %shift_right_arithmetic3A = arith.constant 1 : i32
    %shift_right_arithmetic3A_1236 = vector.broadcast %shift_right_arithmetic3A : i32 to vector<6x512xi32>
    %shift_right_arithmetic3A_1237 = arith.shrsi %concatenate3A_1227, %shift_right_arithmetic3A_1236 : vector<6x512xi32>
    %add3A_1238 = vector.broadcast %mul3A_1235 : vector<1x512xi32> to vector<6x512xi32>
    %add3A_1239 = arith.addi %add3A_1238, %shift_right_arithmetic3A_1237 : vector<6x512xi32>
    %swap3A_1240 = arith.constant 0 : index
    %swap3A_1241 = arith.constant 0 : index
    %swap3A_1242 = vector.load %arg12[%swap3A_1240, %swap3A_1241] : memref<6x512xi32, #tpu.memory_space<vmem>>, vector<6x512xi32>
    tpu.vector_store %arg12[%swap3A_1240, %swap3A_1241], %add3A_1239 {strides = array<i32>} : memref<6x512xi32, #tpu.memory_space<vmem>>, vector<6x512xi32>,
    %and3A_1243 = arith.constant 1 : i32
    %and3A_1244 = vector.broadcast %and3A_1243 : i32 to vector<6x512xi32>
    %and3A_1245 = arith.andi %concatenate3A_1227, %and3A_1244 : vector<6x512xi32>
    %convert_element_type3A_1246 = arith.sitofp %and3A_1245 : vector<6x512xi32> to vector<6x512xf32>
    %swap3A_1247 = arith.constant 0 : index
    %swap3A_1248 = arith.constant 0 : index
    %swap3A_1249 = vector.load %arg13[%swap3A_1247, %swap3A_1248] : memref<6x512xf32, #tpu.memory_space<vmem>>, vector<6x512xf32>
    tpu.vector_store %arg13[%swap3A_1247, %swap3A_1248], %convert_element_type3A_1246 {strides = array<i32>} : memref<6x512xf32, #tpu.memory_space<vmem>>, vector<6x512xf32>,
    return
  }
  func.func @transform_0(%arg0: i32) -> (i32, i32) {
    %c0_i32 = arith.constant 0 : i32
    %c0_i32_0 = arith.constant 0 : i32
    return %c0_i32, %arg0 : i32, i32
  }
  func.func @transform_1(%arg0: i32) -> (i32, i32) {
    %c0_i32 = arith.constant 0 : i32
    %c0_i32_0 = arith.constant 0 : i32
    %c0_i32_1 = arith.constant 0 : i32
    return %c0_i32, %c0_i32_0 : i32, i32
  }
  func.func @transform_2(%arg0: i32) -> (i32, i32) {
    %c0_i32 = arith.constant 0 : i32
    %c0_i32_0 = arith.constant 0 : i32
    %c0_i32_1 = arith.constant 0 : i32
    return %c0_i32, %c0_i32_0 : i32, i32
  }
  func.func @transform_3(%arg0: i32) -> (i32, i32) {
    %c0_i32 = arith.constant 0 : i32
    %c0_i32_0 = arith.constant 0 : i32
    %c0_i32_1 = arith.constant 0 : i32
    return %c0_i32, %c0_i32_0 : i32, i32
  }
  func.func @transform_4(%arg0: i32) -> (i32, i32) {
    %c0_i32 = arith.constant 0 : i32
    %c0_i32_0 = arith.constant 0 : i32
    %c0_i32_1 = arith.constant 0 : i32
    return %c0_i32, %c0_i32_0 : i32, i32
  }
  func.func @transform_5(%arg0: i32) -> (i32, i32) {
    %c0_i32 = arith.constant 0 : i32
    %c0_i32_0 = arith.constant 0 : i32
    %c0_i32_1 = arith.constant 0 : i32
    return %c0_i32, %c0_i32_0 : i32, i32
  }
  func.func @transform_6(%arg0: i32) -> (i32, i32) {
    %c0_i32 = arith.constant 0 : i32
    %c0_i32_0 = arith.constant 0 : i32
    %c0_i32_1 = arith.constant 0 : i32
    return %c0_i32, %c0_i32_0 : i32, i32
  }
  func.func @transform_7(%arg0: i32) -> (i32, i32) {
    %c0_i32 = arith.constant 0 : i32
    %c0_i32_0 = arith.constant 0 : i32
    %c0_i32_1 = arith.constant 0 : i32
    return %c0_i32, %c0_i32_0 : i32, i32
  }
  func.func @transform_8(%arg0: i32) -> (i32, i32) {
    %c0_i32 = arith.constant 0 : i32
    %c0_i32_0 = arith.constant 0 : i32
    %c0_i32_1 = arith.constant 0 : i32
    return %c0_i32, %c0_i32_0 : i32, i32
  }
  func.func @transform_9(%arg0: i32) -> (i32, i32) {
    %c0_i32 = arith.constant 0 : i32
    %c0_i32_0 = arith.constant 0 : i32
    %c0_i32_1 = arith.constant 0 : i32
    return %c0_i32, %c0_i32_0 : i32, i32
  }
  func.func @transform_10(%arg0: i32) -> (i32, i32) {
    %c0_i32 = arith.constant 0 : i32
    %c0_i32_0 = arith.constant 0 : i32
    %c0_i32_1 = arith.constant 0 : i32
    return %c0_i32, %c0_i32_0 : i32, i32
  }
  func.func @transform_11(%arg0: i32) -> (i32, i32) {
    %c0_i32 = arith.constant 0 : i32
    %c0_i32_0 = arith.constant 0 : i32
    return %c0_i32, %arg0 : i32, i32
  }
  func.func @transform_12(%arg0: i32) -> (i32, i32) {
    %c0_i32 = arith.constant 0 : i32
    %c0_i32_0 = arith.constant 0 : i32
    return %c0_i32, %arg0 : i32, i32
  }
  func.func @transform_13(%arg0: i32) -> (i32, i32) {
    %c0_i32 = arith.constant 0 : i32
    %c0_i32_0 = arith.constant 0 : i32
    return %c0_i32, %arg0 : i32, i32
  }
  func.func @transform_14(%arg0: i32) -> (i32, i32) {
    %c0_i32 = arith.constant 0 : i32
    %c0_i32_0 = arith.constant 0 : i32
    return %arg0, %c0_i32 : i32, i32
  }
}

module attributes {stable_mosaic.version = 14 : i64} {
  func.func @_halfsel_body(%arg0: i32, %arg1: i32, %arg2: memref<2048x128xf32, #tpu.memory_space<vmem>>, %arg3: memref<1x2048xf32, #tpu.memory_space<vmem>>, %arg4: memref<64x2048xf32, #tpu.memory_space<vmem>>) attributes {dimension_semantics = [#tpu.dimension_semantics<arbitrary>, #tpu.dimension_semantics<arbitrary>], iteration_bounds = array<i64: 6, 8>, scalar_prefetch = 0 : i64, scratch_operands = 0 : i64, tpu.core_type = #tpu.core_type<tc>, window_params = [{transform_indices = @transform_0, window_bounds = array<i64: 2048, 128>}, {transform_indices = @transform_1, window_bounds = array<i64: 1, 2048>}, {transform_indices = @transform_2, window_bounds = array<i64: 64, 2048>}]} {
    %get3A = arith.constant 0 : index
    %get3A_0 = arith.constant 0 : index
    %get3A_1 = vector.load %arg2[%get3A, %get3A_0] : memref<2048x128xf32, #tpu.memory_space<vmem>>, vector<2048x128xf32>
    %get3A_2 = arith.constant 0 : index
    %get3A_3 = arith.constant 0 : index
    %get3A_4 = vector.load %arg3[%get3A_2, %get3A_3] : memref<1x2048xf32, #tpu.memory_space<vmem>>, vector<1x2048xf32>
    %slice3A = vector.extract_strided_slice %get3A_1 {offsets = [0, 0], sizes = [2048, 64], strides = [1, 1]} : vector<2048x128xf32> to vector<2048x64xf32>
    %transpose3A = tpu.transpose %slice3A, [1, 0] : vector<2048x64xf32> -> vector<64x2048xf32>
    %slice3A_5 = vector.extract_strided_slice %get3A_1 {offsets = [0, 64], sizes = [2048, 64], strides = [1, 1]} : vector<2048x128xf32> to vector<2048x64xf32>
    %transpose3A_6 = tpu.transpose %slice3A_5, [1, 0] : vector<2048x64xf32> -> vector<64x2048xf32>
    %gt3A = arith.constant 5.000000e-01 : f32
    %gt3A_7 = vector.broadcast %gt3A : f32 to vector<1x2048xf32>
    %gt3A_8 = arith.cmpf ogt, %get3A_4, %gt3A_7 : vector<1x2048xf32>
    %broadcast_in_dim3A = vector.shape_cast %gt3A_8 : vector<1x2048xi1> to vector<1x2048xi1>
    %broadcast_in_dim3A_9 = vector.broadcast %broadcast_in_dim3A : vector<1x2048xi1> to vector<64x2048xi1>
    %select_n3A = arith.select %broadcast_in_dim3A_9, %transpose3A_6, %transpose3A : vector<64x2048xi1>, vector<64x2048xf32>
    %swap3A = arith.constant 0 : index
    %swap3A_10 = arith.constant 0 : index
    %swap3A_11 = vector.load %arg4[%swap3A, %swap3A_10] : memref<64x2048xf32, #tpu.memory_space<vmem>>, vector<64x2048xf32>
    tpu.vector_store %arg4[%swap3A, %swap3A_10], %select_n3A {strides = array<i32>} : memref<64x2048xf32, #tpu.memory_space<vmem>>, vector<64x2048xf32>,
    return
  }
  func.func @transform_0(%arg0: i32, %arg1: i32) -> (i32, i32) {
    %mul3A = arith.constant 8 : i32
    %mul3A_0 = arith.muli %arg0, %mul3A : i32
    %add3A = arith.addi %mul3A_0, %arg1 : i32
    %c0_i32 = arith.constant 0 : i32
    %c0_i32_1 = arith.constant 0 : i32
    return %add3A, %c0_i32 : i32, i32
  }
  func.func @transform_1(%arg0: i32, %arg1: i32) -> (i32, i32) {
    %mul3A = arith.constant 8 : i32
    %mul3A_0 = arith.muli %arg0, %mul3A : i32
    %add3A = arith.addi %mul3A_0, %arg1 : i32
    %c0_i32 = arith.constant 0 : i32
    %c0_i32_1 = arith.constant 0 : i32
    return %c0_i32, %add3A : i32, i32
  }
  func.func @transform_2(%arg0: i32, %arg1: i32) -> (i32, i32) {
    %c0_i32 = arith.constant 0 : i32
    return %arg0, %arg1 : i32, i32
  }
}

</mosaic_0001>

<sc_bundles>
// kernel: kernel.5.cloned.1.call-start
scs
__scs_entry_jumppad:
0x0: {  	(pc) =	sbr.rel $0x88, $3  }
0x1: {  	(tag) =	ssettag $0x0;
	lr =	simm.s32 $0x1  }
0x2: {  	[smem:$0x3F96] =	sst lr;
	_ =	strace $0xD0000000  }
0x3: {  	_ = 	snop  }
0x4: {  	_ = 	snop  }
0x5: {  	_ = 	snop  }
0x6: {  	_ = 	snop  }
0x7: {  	_ = 	snop  }
__scs_overlays_trampoline_lowered:
0x8: {  	[smem:$0x3FA5] =	sst s0  }
0x9: {  	[smem:$0x3FA6] =	sst s1  }
0xa: {  	[smem:$0x3FA7] =	sst s2  }
0xb: {  	[smem:$0x3FA8] =	sst s3  }
0xc: {  	[smem:$0x3FA9] =	sst s4  }
0xd: {  	[smem:$0x3FAA] =	sst s5  }
0xe: {  	[smem:$0x3FAB] =	sst s6  }
0xf: {  	[smem:$0x3FAC] =	sst s7  }
0x10: {  	[smem:$0x3FAD] =	sst s8  }
0x11: {  	[smem:$0x3FAE] =	sst s9;
	s0 =	simm.s32 @!p0 $0x0  }
0x12: {  	s1 =	sld [smem:$0x3F94];
	s0 =	simm.s32 @p0 $0x1  }
0x13: {  	[smem:$0x3FAF] =	sst s0;
	s0 =	simm.s32 @!p1 $0x0  }
0x14: {  	s2 =	sld [smem:$0x3F93];
	s0 =	simm.s32 @p1 $0x1  }
0x15: {  	[smem:$0x3FB0] =	sst s0;
	s0 =	simm.s32 @!p2 $0x0  }
0x16: {  	s3 =	sld [smem:$0x3FDB];
	s0 =	simm.s32 @p2 $0x1  }
0x17: {  	s4 =	simm.s32 $0x1BF5;
	[smem:$0x3FB2] =	sst s0  }
0x18: {  	s0 =	sld [smem:$0x3F95];
	_ =	swait.ge [sflag:s4], $0x0  }
0x19: {  	s7 =	sld [smem:$0x3F96]  }
0x1a: {  	s8 =	sadd.s32 $0xFFFFE003, lr  }
0x1b: {  	s9 =	sadd.s32 $0xFFFFFEF7, lr;
	s5 =	simm.s32 $0xFFFFFFFF;
	p2 =	slt.u32 s8, $0xFFFFF086  }
0x1c: {  	p1 =	slt.u32 s9, $0xF7A;
	s5 =	simm.s32 @!p2 $0x0  }
0x1d: {  	s5 =	simm.s32 @p1 $0x1;
	p0 =	seq.s32 s7, s2  }
0x1e: {  	s7 =	smul.u32 @!p0 $0xF7A, s2;
	p2 =	seq.s32 @!p0 s5, $0x0  }
0x1f: {  	s9 =	smul.u32 $0xF7A, s1;
	s8 =	simm.s32 @!p0 $0x1BF5;
	p2 =	por !p2, p0  }
0x20: {  	[sflag:s8] =	ssyncset.s32 @!p0 $0xFFFFF086;
	s6 =	sadd.s32 @!p0 s3, s7;
	s7 =	simm.s32 @!p0 $0x108  }
0x21: {  	s3 =	sadd.s32 s3, s9;
	s6 =	sadd.s32 @!p0 $0x88, s6;
	s7 =	simm.s32 @p2 $0x1082  }
0x22: {  	[simem:s7], [sflag:s8] =	dma.local @!p0 [hbm:s6], $0xF7A  }
0x23: {  	s9 =	sor.u32 $0xD0000000, s2;
	s6 =	simm.s32 $0x108;
	_ =	swait.ge @!p0 [sflag:s8], $0x0  }
0x24: {  	s3 =	sadd.s32 $0x88, s3;
	s6 =	simm.s32 @!p1 $0x1082;
	[sflag:s4] =	ssyncset.s32 $0xFFFFF086  }
0x25: {  	[simem:s6], [sflag:s4] =	dma.local [hbm:s3], $0xF7A  }
0x26: {  	[smem:$0x3F96] =	sst s1;
	(tag) =	ssettag s2;
	_ =	strace s9  }
0x27: {  	s1 =	sld [smem:$0x3FA6]  }
0x28: {  	s2 =	sld [smem:$0x3FA7]  }
0x29: {  	s4 =	sld [smem:$0x3FA9]  }
0x2a: {  	p0 =	seq.s32 s5, $0x0;
	s5 =	sld [smem:$0x3FAA]  }
0x2b: {  	s6 =	sld [smem:$0x3FAB]  }
0x2c: {  	s7 =	sld [smem:$0x3FAC]  }
0x2d: {  	s3 =	simm.s32 $0x108;
	s8 =	sld [smem:$0x3FAD]  }
0x2e: {  	s3 =	simm.s32 @!p0 $0x1082;
	s9 =	sld [smem:$0x3FAE]  }
0x2f: {  	lr =	sadd.s32 s0, s3;
	s0 =	sld [smem:$0x3FA5]  }
0x30: {  	s3 =	sld [smem:$0x3FA8]  }
0x31: {  	[smem:$0x3FB1] =	sst s10  }
0x32: {  	s10 =	sld [smem:$0x3FAF];
	_ =	sdelay $0x3  }
0x33: {  	p0 =	seq.s32 s10, $0x1;
	s10 =	sld [smem:$0x3FB1];
	_ =	sdelay $0x3  }
0x34: {  	[smem:$0x3FB1] =	sst s10  }
0x35: {  	s10 =	sld [smem:$0x3FB0];
	_ =	sdelay $0x3  }
0x36: {  	p1 =	seq.s32 s10, $0x1;
	s10 =	sld [smem:$0x3FB1];
	_ =	sdelay $0x3  }
0x37: {  	[smem:$0x3FB1] =	sst s10  }
0x38: {  	s10 =	sld [smem:$0x3FB2]  }
0x39: {  	_ = 	snop;
	(pc) =	sbr.ind lr, $3  }
0x3a: {  	_ = 	snop  }
0x3b: {  	_ = 	snop  }
0x3c: {  	p2 =	seq.s32 s10, $0x1;
	s10 =	sld [smem:$0x3FB1]  }
0x3d: {  	_ =	shalt  }
0x3e: {  	_ =	shalt  }
0x3f: {  	_ =	shalt  }
0x40: {  	_ =	shalt  }
0x41: {  	_ =	shalt  }
0x42: {  	_ =	shalt  }
0x43: {  	_ =	shalt  }
0x44: {  	_ =	shalt  }
0x45: {  	_ =	shalt  }
0x46: {  	_ =	shalt  }
0x47: {  	_ =	shalt  }
0x48: {  	_ =	shalt  }
0x49: {  	_ =	shalt  }
0x4a: {  	_ =	shalt  }
0x4b: {  	_ =	shalt  }
0x4c: {  	_ =	shalt  }
0x4d: {  	_ =	shalt  }
0x4e: {  	_ =	shalt  }
0x4f: {  	_ =	shalt  }
0x50: {  	_ =	shalt  }
0x51: {  	_ =	shalt  }
0x52: {  	_ =	shalt  }
0x53: {  	_ =	shalt  }
0x54: {  	_ =	shalt  }
0x55: {  	_ =	shalt  }
0x56: {  	_ =	shalt  }
0x57: {  	_ =	shalt  }
0x58: {  	_ =	shalt  }
0x59: {  	_ =	shalt  }
0x5a: {  	_ =	shalt  }
0x5b: {  	_ =	shalt  }
0x5c: {  	_ =	shalt  }
0x5d: {  	_ =	shalt  }
0x5e: {  	_ =	shalt  }
0x5f: {  	_ =	shalt  }
0x60: {  	_ =	shalt  }
0x61: {  	_ =	shalt  }
0x62: {  	_ =	shalt  }
0x63: {  	_ =	shalt  }
0x64: {  	_ =	shalt  }
0x65: {  	_ =	shalt  }
0x66: {  	_ =	shalt  }
0x67: {  	_ =	shalt  }
0x68: {  	_ =	shalt  }
0x69: {  	_ =	shalt  }
0x6a: {  	_ =	shalt  }
0x6b: {  	_ =	shalt  }
0x6c: {  	_ =	shalt  }
0x6d: {  	_ =	shalt  }
0x6e: {  	_ =	shalt  }
0x6f: {  	_ =	shalt  }
0x70: {  	_ =	shalt  }
0x71: {  	_ =	shalt  }
0x72: {  	_ =	shalt  }
0x73: {  	_ =	shalt  }
0x74: {  	_ =	shalt  }
0x75: {  	_ =	shalt  }
0x76: {  	_ =	shalt  }
0x77: {  	_ =	shalt  }
0x78: {  	_ =	shalt  }
0x79: {  	_ =	shalt  }
0x7a: {  	_ =	shalt  }
0x7b: {  	_ =	shalt  }
0x7c: {  	_ =	shalt  }
0x7d: {  	_ =	shalt  }
0x7e: {  	_ =	shalt  }
0x7f: {  	_ =	shalt  }
0x80: {  	_ =	shalt  }
0x81: {  	_ =	shalt  }
0x82: {  	_ =	shalt  }
0x83: {  	_ =	shalt  }
0x84: {  	_ =	shalt  }
0x85: {  	_ =	shalt  }
0x86: {  	_ =	shalt  }
0x87: {  	_ =	shalt  }
.Lfunc_end0:
.L_simem_size_0:
called_computation_lowered:
.L_overlay_start_0:
0x88: {  	s2 =	sld [smem:$0x3FD9]  }
0x89: {  	s3 =	sld [smem:$0x3FFE];
	_ =	sdelay $0x1  }
0x8a: {  	s1 =	srdreg.scid  }
0x8b: {  	s0 =	sand.u32 $0x1, s1  }
0x8c: {  	s14 =	sshll.u32 s0, $0xA;
	s2 =	sadd.s32 s3, s2  }
0x8d: {  	s2 =	sadd.s32 s2, s14  }
0x8e: {  	[smem:$0x3FBD] =	sst s2  }
0x8f: {  	_ = 	snop  }
0x90: {  	s2 =	sld [smem:$0x3FD0];
	_ =	sdelay $0x2  }
0x91: {  	s15 =	simm.s32 $0xA;
	s4 =	simm.s32 $0x10  }
0x92: {  	[smem:s4], [sflag:s15] =	dma.local [hbm:s2], $0x1  }
0x93: {  	_ =	swait.eq [sflag:s15], $0x1  }
0x94: {  	[sflag:s15] =	ssyncset.done $0x0  }
0x95: {  	[sflag:s15] =	ssyncadd.s32 $0xFFFFFFFF  }
0x96: {  	s16 =	sld [smem:$0x10];
	(tm) =	ssettm $0x1  }
0x97: {  	s17 =	sld [smem:$0x3FFB];
	_ =	sdelay $0x3  }
0x98: {  	_ =	strace s17  }
0x99: {  	s3 =	sld [smem:$0x3FFC];
	_ =	sdelay $0x3  }
0x9a: {  	_ =	strace s3  }
0x9b: {  	s3 =	sld [smem:$0x3FFD];
	_ =	sdelay $0x3  }
0x9c: {  	_ =	strace s3  }
0x9d: {  	_ =	strace $0x8FFFFFFF  }
0x9e: {  	s18 =	sld [smem:$0x3FDB];
	_ =	sdelay $0x1  }
0x9f: {  	s19 =	simm.s32 $_scs_section_size  }
0xa0: {  	s5 =	simm.s32 $_size__tile_overlayer_lowered;
	s6 =	simm.s32 $_tile_overlayer_lowered  }
0xa1: {  	s22 =	simm.s32 $0x1BFF;
	s21 =	sshll.u32 s6, $0x1;
	s3 =	sadd.s32 s19, s18  }
0xa2: {  	s7 =	simm.s32 $0x0;
	s20 =	sshll.u32 s5, $0x1;
	s5 =	sadd.s32 s21, s3  }
0xa3: {  	[timem:s7], [sflag:s22] =	dma.local [hbm:s5], s20  }
0xa4: {  	_ =	swait.ge [sflag:s22], s20  }
0xa5: {  	s4 =	ssub.s32 $0x0, s20;
	[sflag:s22] =	ssyncset.done $0x0  }
0xa6: {  	[sflag:s22] =	ssyncadd.s32 s4;
	_ =	sdelay $0x1  }
0xa7: {  	s23 =	simm.s32 $0x1B8B  }
0xa8: {  	_ =	swait.ge [sflag:s23], $0x1  }
0xa9: {  	[sflag:s23] =	ssyncset.done $0x0  }
0xaa: {  	s25 =	simm.s32 $0x1B8E;
	s24 =	sld [smem:$0x3FFE];
	[sflag:s23] =	ssyncadd.s32 $0xFFFFFFFF  }
0xab: {  	s26 =	simm.s32 $execute0_lowered;
	[smem:$0x3FD2] =	sst s25  }
0xac: {  	s5 =	sshll.u32 s26, $0x1;
	_ =	strace $0x80000046;
	[dreg:$0x1] =	wrdreg $0xFFFFFFFF  }
0xad: {  	s28 =	simm.s32 $_size_execute0_lowered;
	s3 =	sadd.s32 s3, s5;
	[dreg:$0x0] =	wrdreg $0x0  }
0xae: {  	s5 =	sshll.u32 s28, $0x1;
	[dreg:$0x2] =	wrdreg s3  }
0xaf: {  	[dreg:$0x3] =	wrdreg s5  }
0xb0: {  	[dreg:$0x4] =	wrdreg $0xC0  }
0xb1: {  	_ =	task [dreg:s7], $0x5FFFF  }
0xb2: {  	[dreg:$0x1] =	wrdreg $0xFFFFFFFF  }
0xb3: {  	[dreg:$0x0] =	wrdreg $0x60  }
0xb4: {  	[dreg:$0x2] =	wrdreg s24  }
0xb5: {  	[dreg:$0x3] =	wrdreg s16  }
0xb6: {  	[dreg:$0x4] =	wrdreg $0x9  }
0xb7: {  	_ =	task.clear_ibuf [dreg:s7], $0x5FFFF;
	_ =	strace $0x90000046  }
0xb8: {  	s29 =	simm.s32 $0x9;
	_ =	strace $0x80000048  }
0xb9: {  	_ =	swait.ge [sflag:s29], $0x1  }
0xba: {  	[sflag:s29] =	ssyncadd.s32 $0xFFFFFFFF  }
0xbb: {  	_ =	strace $0x90000048  }
0xbc: {  	_ =	sfence  }
0xbd: {  	s30 =	sld [smem:$0x0];
	_ =	sdelay $0x2  }
0xbe: {  	s31 =	sshll.u32 s1, $0xD;
	s1 =	sshrl.u32 s1, $0x2  }
0xbf: {  	s3 =	sand.u32 $0x4000, s31;
	s1 =	sadd.s32 s1, s30  }
0xc0: {  	s0 =	sor.u32 s3, s0;
	s1 =	sshll.u32 s1, $0x11  }
0xc1: {  	s0 =	sor.u32 s1, s0  }
0xc2: {  	s0 =	sadd.s32 $0x8F2B, s0  }
0xc3: {  	[sflag:s0] =	ssyncadd.remote.s32 $0x1  }
0xc4: {  	_ =	sfence.sel $0xFFFF  }
0xc5: {  	[dreg:$0x0] =	wrdreg $0xFFFFFFFF;
	(pc) =	sbr.abs _section_cstart, $3  }
0xc6: {  	[dreg:$0x1] =	wrdreg $0xFFFFFFFF  }
0xc7: {  	_ =	task.clear_ibuf [dreg:s7], $0x2FFFF;
	_ =	strace $0x9FFFFFFF  }
0xc8: {  	(tm) =	ssettm $0x7FFFFFFF  }
0xc9: {  	_ =	shalt  }
tec
execute0_lowered:
.L_overlay_start_1:
0x0: {  	(tag) =	ssettag $0x1  }
0x1: {  	s1 =	srdreg.scid;
	s0 =	stileid.u32  }
0x2: {  	s18 =	sand.u32 $0x1, s1;
	s26 =	sshll.u32 s0, $0x1  }
0x3: {  	s8 =	rddreg [dreg:$0x0];
	s9 =	sor.u32 s18, s26  }
0x4: {  	s17 =	rddreg [dreg:$0x1];
	s19 =	smul.u32 $0xC00, s9  }
0x5: {  	s2 =	simm.s32 $0x0;
	s1 =	rddreg [dreg:$0x2]  }
0x6: {  	[smem:$0x7FF] =	sst s2;
	s3 =	sshrl.u32 s19, $0x3  }
0x7: {  	_ =	strace $0x80000047;
	s4 =	sadd.s32 s17, s3;
	s3 =	simm.s32 $0x2  }
0x8: {  	[tilespmem:s2], [sflag:$0x2] =	stream.linear.gather [hbm4b:s4+s2], $0x200, $0x38;
	[tilespmem:$0x10200] =	vst v63  }
0x9: {  	_ =	swait.ge [sflag:s3], $0x200  }
0xa: {  	s6 =	simm.s32 $0x200;
	[sflag:s3] =	ssyncset.done $0x0  }
0xb: {  	s7 =	simm.s32 $0x1;
	s5 =	sadd.s32 $0xC00, s8;
	[sflag:s3] =	ssyncadd.s32 $0xFFFFFE00  }
0xc: {  	[tilespmem:s6], [sflag:$0x1] =	stream.indirect.gather [hbm4b:s5+s6], $0x80, s2, s6, $0xb8;
	[tilespmem:$0x10200] =	vst v63  }
0xd: {  	s9 =	smul.u32 $0xC000, s9;
	_ =	swait.ge [sflag:s7], $0x10000  }
0xe: {  	s20 =	sadd.s32 $0x400C00, s8;
	[sflag:s7] =	ssyncset.done $0x0  }
0xf: {  	s8 =	sadd.s32 s20, s9;
	[sflag:s7] =	ssyncadd.s32 $0xFFFF0000  }
0x10: {  	[hbm4b:s8+s2] =	stream.linear.scatter [tilespmem:s6], [sflag:$0x2], $0x10000, $0x38;
	[tilespmem:$0x10200] =	vst v63  }
0x11: {  	s10 =	sor.u32 $0x200, s19;
	_ =	swait.ge [sflag:s3], $0x10000  }
0x12: {  	s28 =	sshrl.u32 s10, $0x3;
	[sflag:s3] =	ssyncset.done $0x0  }
0x13: {  	s9 =	sadd.s32 s17, s28;
	[sflag:s3] =	ssyncadd.s32 $0xFFFF0000  }
0x14: {  	[tilespmem:s2], [sflag:$0x2] =	stream.linear.gather [hbm4b:s9+s2], $0x200, $0x38;
	[tilespmem:$0x10200] =	vst v63  }
0x15: {  	_ =	swait.ge [sflag:s3], $0x200  }
0x16: {  	[sflag:s3] =	ssyncset.done $0x0  }
0x17: {  	[sflag:s3] =	ssyncadd.s32 $0xFFFFFE00  }
0x18: {  	[tilespmem:s6], [sflag:$0x1] =	stream.indirect.gather [hbm4b:s5+s6], $0x80, s2, s6, $0xb8;
	[tilespmem:$0x10200] =	vst v63  }
0x19: {  	_ =	swait.ge [sflag:s7], $0x10000  }
0x1a: {  	s10 =	sshll.u32 s10, $0x4;
	[sflag:s7] =	ssyncset.done $0x0  }
0x1b: {  	s10 =	sadd.s32 s20, s10;
	[sflag:s7] =	ssyncadd.s32 $0xFFFF0000  }
0x1c: {  	[hbm4b:s10+s2] =	stream.linear.scatter [tilespmem:s6], [sflag:$0x2], $0x10000, $0x38;
	[tilespmem:$0x10200] =	vst v63  }
0x1d: {  	s12 =	sadd.s32 $0x400, s19;
	_ =	swait.ge [sflag:s3], $0x10000  }
0x1e: {  	s11 =	sshrl.u32 s12, $0x3;
	[sflag:s3] =	ssyncset.done $0x0  }
0x1f: {  	s11 =	sadd.s32 s17, s11;
	[sflag:s3] =	ssyncadd.s32 $0xFFFF0000  }
0x20: {  	[tilespmem:s2], [sflag:$0x2] =	stream.linear.gather [hbm4b:s11+s2], $0x200, $0x38;
	[tilespmem:$0x10200] =	vst v63  }
0x21: {  	_ =	swait.ge [sflag:s3], $0x200  }
0x22: {  	[sflag:s3] =	ssyncset.done $0x0  }
0x23: {  	[sflag:s3] =	ssyncadd.s32 $0xFFFFFE00  }
0x24: {  	[tilespmem:s6], [sflag:$0x1] =	stream.indirect.gather [hbm4b:s5+s6], $0x80, s2, s6, $0xb8;
	[tilespmem:$0x10200] =	vst v63  }
0x25: {  	_ =	swait.ge [sflag:s7], $0x10000  }
0x26: {  	s12 =	sshll.u32 s12, $0x4;
	[sflag:s7] =	ssyncset.done $0x0  }
0x27: {  	s12 =	sadd.s32 s20, s12;
	[sflag:s7] =	ssyncadd.s32 $0xFFFF0000  }
0x28: {  	[hbm4b:s12+s2] =	stream.linear.scatter [tilespmem:s6], [sflag:$0x2], $0x10000, $0x38;
	[tilespmem:$0x10200] =	vst v63  }
0x29: {  	s14 =	sadd.s32 $0x600, s19;
	_ =	swait.ge [sflag:s3], $0x10000  }
0x2a: {  	s13 =	sshrl.u32 s14, $0x3;
	[sflag:s3] =	ssyncset.done $0x0  }
0x2b: {  	s13 =	sadd.s32 s17, s13;
	[sflag:s3] =	ssyncadd.s32 $0xFFFF0000  }
0x2c: {  	[tilespmem:s2], [sflag:$0x2] =	stream.linear.gather [hbm4b:s13+s2], $0x200, $0x38;
	[tilespmem:$0x10200] =	vst v63  }
0x2d: {  	_ =	swait.ge [sflag:s3], $0x200  }
0x2e: {  	[sflag:s3] =	ssyncset.done $0x0  }
0x2f: {  	[sflag:s3] =	ssyncadd.s32 $0xFFFFFE00  }
0x30: {  	[tilespmem:s6], [sflag:$0x1] =	stream.indirect.gather [hbm4b:s5+s6], $0x80, s2, s6, $0xb8;
	[tilespmem:$0x10200] =	vst v63  }
0x31: {  	_ =	swait.ge [sflag:s7], $0x10000  }
0x32: {  	s14 =	sshll.u32 s14, $0x4;
	[sflag:s7] =	ssyncset.done $0x0  }
0x33: {  	s14 =	sadd.s32 s20, s14;
	[sflag:s7] =	ssyncadd.s32 $0xFFFF0000  }
0x34: {  	[hbm4b:s14+s2] =	stream.linear.scatter [tilespmem:s6], [sflag:$0x2], $0x10000, $0x38;
	[tilespmem:$0x10200] =	vst v63  }
0x35: {  	s16 =	sadd.s32 $0x800, s19;
	_ =	swait.ge [sflag:s3], $0x10000  }
0x36: {  	s15 =	sshrl.u32 s16, $0x3;
	[sflag:s3] =	ssyncset.done $0x0  }
0x37: {  	s15 =	sadd.s32 s17, s15;
	[sflag:s3] =	ssyncadd.s32 $0xFFFF0000  }
0x38: {  	[tilespmem:s2], [sflag:$0x2] =	stream.linear.gather [hbm4b:s15+s2], $0x200, $0x38;
	[tilespmem:$0x10200] =	vst v63  }
0x39: {  	_ =	swait.ge [sflag:s3], $0x200  }
0x3a: {  	[sflag:s3] =	ssyncset.done $0x0  }
0x3b: {  	[sflag:s3] =	ssyncadd.s32 $0xFFFFFE00  }
0x3c: {  	[tilespmem:s6], [sflag:$0x1] =	stream.indirect.gather [hbm4b:s5+s6], $0x80, s2, s6, $0xb8;
	[tilespmem:$0x10200] =	vst v63  }
0x3d: {  	_ =	swait.ge [sflag:s7], $0x10000  }
0x3e: {  	s16 =	sshll.u32 s16, $0x4;
	[sflag:s7] =	ssyncset.done $0x0  }
0x3f: {  	s16 =	sadd.s32 s20, s16;
	[sflag:s7] =	ssyncadd.s32 $0xFFFF0000  }
0x40: {  	[hbm4b:s16+s2] =	stream.linear.scatter [tilespmem:s6], [sflag:$0x2], $0x10000, $0x38;
	[tilespmem:$0x10200] =	vst v63  }
0x41: {  	s19 =	sadd.s32 $0xA00, s19;
	_ =	swait.ge [sflag:s3], $0x10000  }
0x42: {  	s21 =	sshrl.u32 s19, $0x3;
	[sflag:s3] =	ssyncset.done $0x0  }
0x43: {  	s18 =	ssub.s32 $0x2, s18;
	s17 =	sadd.s32 s17, s21;
	[sflag:s3] =	ssyncadd.s32 $0xFFFF0000  }
0x44: {  	[tilespmem:s2], [sflag:$0x2] =	stream.linear.gather [hbm4b:s17+s2], $0x200, $0x38;
	[tilespmem:$0x10200] =	vst v63  }
0x45: {  	s29 =	sshrl.u32 s18, $0x1;
	_ =	swait.ge [sflag:s3], $0x200  }
0x46: {  	s21 =	ssub.s32 s18, s29;
	[sflag:s3] =	ssyncset.done $0x0  }
0x47: {  	s31 =	smax.u32 s21, $0x1;
	[sflag:s3] =	ssyncadd.s32 $0xFFFFFE00  }
0x48: {  	[tilespmem:s6], [sflag:$0x1] =	stream.indirect.gather [hbm4b:s5+s6], $0x80, s2, s6, $0xb8;
	[tilespmem:$0x10200] =	vst v63  }
0x49: {  	p0 =	sne.s32 s31, $0x1;
	_ =	swait.ge [sflag:s7], $0x10000  }
.Ltmp0:
0x4a: {  	s30 =	sshll.u32 s19, $0x4;
	[sflag:s7] =	ssyncset.done $0x0;
	(pc) =	sbr.rel @!p0 .LBB2_2-.Ltmp0, $4  }
0x4b: {  	s18 =	sadd.s32 s20, s30;
	[sflag:s7] =	ssyncadd.s32 $0xFFFF0000  }
0x4c: {  	[hbm4b:s18+s2] =	stream.linear.scatter [tilespmem:s6], [sflag:$0x2], $0x10000, $0x38;
	[tilespmem:$0x10200] =	vst v63  }
0x4d: {  	_ =	swait.ge [sflag:s3], $0x10000  }
0x4e: {  	s19 =	sadd.s32 $0xFFFFFFFF, s31;
	[sflag:s3] =	ssyncset.done $0x0  }
.LBB2_1:
0x4f: {  	p0 =	sne.s32 s19, $0x1;
	s19 =	sadd.s32 $0xFFFFFFFF, s19;
	[sflag:s3] =	ssyncadd.s32 $0xFFFF0000  }
0x50: {  	[tilespmem:s2], [sflag:$0x2] =	stream.linear.gather [hbm4b:s4+s2], $0x200, $0x38;
	[tilespmem:$0x10200] =	vst v63  }
0x51: {  	_ =	swait.ge [sflag:s3], $0x200  }
0x52: {  	[sflag:s3] =	ssyncset.done $0x0  }
0x53: {  	[sflag:s3] =	ssyncadd.s32 $0xFFFFFE00  }
0x54: {  	[tilespmem:s6], [sflag:$0x1] =	stream.indirect.gather [hbm4b:s5+s6], $0x80, s2, s6, $0xb8;
	[tilespmem:$0x10200] =	vst v63  }
0x55: {  	_ =	swait.ge [sflag:s7], $0x10000  }
0x56: {  	[sflag:s7] =	ssyncset.done $0x0  }
0x57: {  	[sflag:s7] =	ssyncadd.s32 $0xFFFF0000  }
0x58: {  	[hbm4b:s8+s2] =	stream.linear.scatter [tilespmem:s6], [sflag:$0x2], $0x10000, $0x38;
	[tilespmem:$0x10200] =	vst v63  }
0x59: {  	_ =	swait.ge [sflag:s3], $0x10000  }
0x5a: {  	[sflag:s3] =	ssyncset.done $0x0  }
0x5b: {  	[sflag:s3] =	ssyncadd.s32 $0xFFFF0000  }
0x5c: {  	[tilespmem:s2], [sflag:$0x2] =	stream.linear.gather [hbm4b:s9+s2], $0x200, $0x38;
	[tilespmem:$0x10200] =	vst v63  }
0x5d: {  	_ =	swait.ge [sflag:s3], $0x200  }
0x5e: {  	[sflag:s3] =	ssyncset.done $0x0  }
0x5f: {  	[sflag:s3] =	ssyncadd.s32 $0xFFFFFE00  }
0x60: {  	[tilespmem:s6], [sflag:$0x1] =	stream.indirect.gather [hbm4b:s5+s6], $0x80, s2, s6, $0xb8;
	[tilespmem:$0x10200] =	vst v63  }
0x61: {  	_ =	swait.ge [sflag:s7], $0x10000  }
0x62: {  	[sflag:s7] =	ssyncset.done $0x0  }
0x63: {  	[sflag:s7] =	ssyncadd.s32 $0xFFFF0000  }
0x64: {  	[hbm4b:s10+s2] =	stream.linear.scatter [tilespmem:s6], [sflag:$0x2], $0x10000, $0x38;
	[tilespmem:$0x10200] =	vst v63  }
0x65: {  	_ =	swait.ge [sflag:s3], $0x10000  }
0x66: {  	[sflag:s3] =	ssyncset.done $0x0  }
0x67: {  	[sflag:s3] =	ssyncadd.s32 $0xFFFF0000  }
0x68: {  	[tilespmem:s2], [sflag:$0x2] =	stream.linear.gather [hbm4b:s11+s2], $0x200, $0x38;
	[tilespmem:$0x10200] =	vst v63  }
0x69: {  	_ =	swait.ge [sflag:s3], $0x200  }
0x6a: {  	[sflag:s3] =	ssyncset.done $0x0  }
0x6b: {  	[sflag:s3] =	ssyncadd.s32 $0xFFFFFE00  }
0x6c: {  	[tilespmem:s6], [sflag:$0x1] =	stream.indirect.gather [hbm4b:s5+s6], $0x80, s2, s6, $0xb8;
	[tilespmem:$0x10200] =	vst v63  }
0x6d: {  	_ =	swait.ge [sflag:s7], $0x10000  }
0x6e: {  	[sflag:s7] =	ssyncset.done $0x0  }
0x6f: {  	[sflag:s7] =	ssyncadd.s32 $0xFFFF0000  }
0x70: {  	[hbm4b:s12+s2] =	stream.linear.scatter [tilespmem:s6], [sflag:$0x2], $0x10000, $0x38;
	[tilespmem:$0x10200] =	vst v63  }
0x71: {  	_ =	swait.ge [sflag:s3], $0x10000  }
0x72: {  	[sflag:s3] =	ssyncset.done $0x0  }
0x73: {  	[sflag:s3] =	ssyncadd.s32 $0xFFFF0000  }
0x74: {  	[tilespmem:s2], [sflag:$0x2] =	stream.linear.gather [hbm4b:s13+s2], $0x200, $0x38;
	[tilespmem:$0x10200] =	vst v63  }
0x75: {  	_ =	swait.ge [sflag:s3], $0x200  }
0x76: {  	[sflag:s3] =	ssyncset.done $0x0  }
0x77: {  	[sflag:s3] =	ssyncadd.s32 $0xFFFFFE00  }
0x78: {  	[tilespmem:s6], [sflag:$0x1] =	stream.indirect.gather [hbm4b:s5+s6], $0x80, s2, s6, $0xb8;
	[tilespmem:$0x10200] =	vst v63  }
0x79: {  	_ =	swait.ge [sflag:s7], $0x10000  }
0x7a: {  	[sflag:s7] =	ssyncset.done $0x0  }
0x7b: {  	[sflag:s7] =	ssyncadd.s32 $0xFFFF0000  }
0x7c: {  	[hbm4b:s14+s2] =	stream.linear.scatter [tilespmem:s6], [sflag:$0x2], $0x10000, $0x38;
	[tilespmem:$0x10200] =	vst v63  }
0x7d: {  	_ =	swait.ge [sflag:s3], $0x10000  }
0x7e: {  	[sflag:s3] =	ssyncset.done $0x0  }
0x7f: {  	[sflag:s3] =	ssyncadd.s32 $0xFFFF0000  }
0x80: {  	[tilespmem:s2], [sflag:$0x2] =	stream.linear.gather [hbm4b:s15+s2], $0x200, $0x38;
	[tilespmem:$0x10200] =	vst v63  }
0x81: {  	_ =	swait.ge [sflag:s3], $0x200  }
0x82: {  	[sflag:s3] =	ssyncset.done $0x0  }
0x83: {  	[sflag:s3] =	ssyncadd.s32 $0xFFFFFE00  }
0x84: {  	[tilespmem:s6], [sflag:$0x1] =	stream.indirect.gather [hbm4b:s5+s6], $0x80, s2, s6, $0xb8;
	[tilespmem:$0x10200] =	vst v63  }
0x85: {  	_ =	swait.ge [sflag:s7], $0x10000  }
0x86: {  	[sflag:s7] =	ssyncset.done $0x0  }
0x87: {  	[sflag:s7] =	ssyncadd.s32 $0xFFFF0000  }
0x88: {  	[hbm4b:s16+s2] =	stream.linear.scatter [tilespmem:s6], [sflag:$0x2], $0x10000, $0x38;
	[tilespmem:$0x10200] =	vst v63  }
0x89: {  	_ =	swait.ge [sflag:s3], $0x10000  }
0x8a: {  	[sflag:s3] =	ssyncset.done $0x0  }
0x8b: {  	[sflag:s3] =	ssyncadd.s32 $0xFFFF0000  }
0x8c: {  	[tilespmem:s2], [sflag:$0x2] =	stream.linear.gather [hbm4b:s17+s2], $0x200, $0x38;
	[tilespmem:$0x10200] =	vst v63  }
0x8d: {  	_ =	swait.ge [sflag:s3], $0x200  }
0x8e: {  	[sflag:s3] =	ssyncset.done $0x0  }
0x8f: {  	[sflag:s3] =	ssyncadd.s32 $0xFFFFFE00  }
0x90: {  	[tilespmem:s6], [sflag:$0x1] =	stream.indirect.gather [hbm4b:s5+s6], $0x80, s2, s6, $0xb8;
	[tilespmem:$0x10200] =	vst v63  }
0x91: {  	_ =	swait.ge [sflag:s7], $0x10000  }
.Ltmp1:
0x92: {  	[sflag:s7] =	ssyncset.done $0x0;
	(pc) =	sbr.rel @p0 .LBB2_1-.Ltmp1, $4  }
0x93: {  	[sflag:s7] =	ssyncadd.s32 $0xFFFF0000  }
0x94: {  	[hbm4b:s18+s2] =	stream.linear.scatter [tilespmem:s6], [sflag:$0x2], $0x10000, $0x38;
	[tilespmem:$0x10200] =	vst v63  }
0x95: {  	_ =	swait.ge [sflag:s3], $0x10000  }
0x96: {  	[sflag:s3] =	ssyncset.done $0x0  }
.LBB2_2:
0x97: {  	[sflag:s3] =	ssyncadd.s32 $0xFFFF0000  }
0x98: {  	_ =	sfence.sel $0x180000  }
0x99: {  	[bflag:$0x0] =	sbarrier.arrive $0xFFFF  }
0x9a: {  	p0 =	sne.s32 s0, $0x0;
	_ =	strace $0x90000047  }
0x9b: {  	s0 =	sadd.s32 @!p0 $0x100000, s1;
	[bflag:$0x2] =	sbarrier.arrive $0xFFFF  }
0x9c: {  	[sflag:s0] =	ssyncadd.tile.s32 @!p0 $0x1;
	_ =	shalt  }
.Lfunc_end2:
_tile_overlayer_lowered:
.L_overlay_start_2:
0x9d: {  	(tag) =	ssettag $0x2  }
0x9e: {  	s0 =	rddreg [dreg:$0x0];
	s2 =	stileid.u32  }
0x9f: {  	s1 =	rddreg [dreg:$0x1];
	p0 =	sne.s32 s2, $0x0  }
0xa0: {  	s3 =	rddreg [dreg:$0x2];
	[bflag:$0x3] =	sbarrier.arrive $0xFFFF;
	s2 =	simm.s32 @!p0 $0x1C02  }
0xa1: {  	[timem:s3], [sflag:s2] =	dma.local @!p0 [hbm:s0], s1  }
0xa2: {  	s0 =	simm.s32 @!p0 $0x2  }
0xa3: {  	_ =	swait.ge @!p0 [sflag:s0], s1  }
0xa4: {  	s1 =	ssub.s32 @!p0 $0x0, s1;
	[sflag:s0] =	ssyncset.done @!p0 $0x0  }
0xa5: {  	[sflag:s0] =	ssyncadd.s32 @!p0 s1  }
0xa6: {  	[bflag:$0x3] =	sbarrier.arrive $0xFFFF  }
0xa7: {  	_ =	shalt  }

</sc_bundles>
